<compile_context>
chip_gen: v7x
topology: tpu7x:2x2x1
jax: 0.10.2.dev20260603
libtpu: 0.0.44.dev20260713+nightly
codegen_flags: <defaults>
</compile_context>

<pallas_src>
import functools
import math

import jax
import jax.numpy as jnp
from jax import lax
from jax.experimental import pallas as pl
from jax.experimental.pallas import tpu as pltpu
from jax.experimental.pallas import tpu_sc as plsc

N = 10000
D = 128
E = 320000
EPS = 1e-5
INVC = 1.0 / math.sqrt(1.0 + EPS)

NC, NS = 2, 16
NW = NC * NS
CHUNK = 128
NCHUNK = 80
EP = NW * NCHUNK * CHUNK
NPAD = 10240
RPS = NPAD // NS
SAFE = N + 200

def _deg_body(dst_hbm, zdeg_hbm, cnt_hbm, idx_v, ones_v, ssem, acc_sh):
    c = lax.axis_index("c")
    s = lax.axis_index("s")
    pltpu.sync_copy(dst_hbm.at[c, s], idx_v)
    for i in range(CHUNK // 16):
        ones_v[pl.ds(i * 16, 16)] = jnp.full((16,), 1.0, jnp.float32)
    pltpu.sync_copy(zdeg_hbm, acc_sh.at[pl.ds(s * RPS, RPS)])
    plsc.subcore_barrier()

    K = 8

    def group(t, carry):
        for u in range(K):
            pltpu.async_copy(ones_v, acc_sh.at[idx_v.at[t * K + u]], ssem,
                             add=True)
        for u in range(K):
            pltpu.make_async_copy(ones_v, acc_sh.at[idx_v.at[t * K + u]],
                                  ssem).wait()
        return carry

    lax.fori_loop(0, NCHUNK // K, group, 0)
    plsc.subcore_barrier()
    pltpu.sync_copy(acc_sh.at[pl.ds(s * RPS, RPS)], cnt_hbm.at[c, pl.ds(s * RPS, RPS)])


def _scatter_body(hp_hbm, src_hbm, dst_hbm, zrows_hbm, out_hbm,
                  src_v, dst_v, rows_v, gsem, ssem, zsem, acc_sh):
    c = lax.axis_index("c")
    s = lax.axis_index("s")
    d_src = pltpu.async_copy(src_hbm.at[c, s], src_v, gsem)
    d_dst = pltpu.async_copy(dst_hbm.at[c, s], dst_v, ssem)
    d_z = pltpu.async_copy(zrows_hbm, acc_sh.at[pl.ds(s * RPS, RPS)], zsem)
    d_src.wait()
    d_dst.wait()
    d_z.wait()
    plsc.subcore_barrier()

    def chunk(j, carry):
        pltpu.async_copy(hp_hbm.at[src_v.at[j]], rows_v, gsem).wait()
        pltpu.async_copy(rows_v, acc_sh.at[dst_v.at[j]], ssem,
                         add=True).wait()
        return carry

    lax.fori_loop(0, NCHUNK, chunk, 0)
    plsc.subcore_barrier()
    pltpu.sync_copy(acc_sh.at[pl.ds(s * RPS, RPS)],
                    out_hbm.at[c, pl.ds(s * RPS, RPS)])


@functools.cache
def _sc_kernels():
    mesh = plsc.VectorSubcoreMesh(core_axis_name="c", subcore_axis_name="s",
                                  num_cores=NC, num_subcores=NS)
    deg = pl.kernel(
        _deg_body,
        out_type=jax.ShapeDtypeStruct((NC, NPAD), jnp.float32),
        mesh=mesh,
        scratch_types=[
            pltpu.VMEM((NCHUNK, CHUNK), jnp.int32),
            pltpu.VMEM((CHUNK,), jnp.float32),
            pltpu.SemaphoreType.DMA,
            pltpu.VMEM_SHARED((NPAD,), jnp.float32),
        ],
    )
    scat = pl.kernel(
        _scatter_body,
        out_type=jax.ShapeDtypeStruct((NC, NPAD, D), jnp.float32),
        mesh=mesh,
        scratch_types=[
            pltpu.VMEM((NCHUNK, CHUNK), jnp.int32),
            pltpu.VMEM((NCHUNK, CHUNK), jnp.int32),
            pltpu.VMEM((CHUNK, D), jnp.float32),
            pltpu.SemaphoreType.DMA,
            pltpu.SemaphoreType.DMA,
            pltpu.SemaphoreType.DMA,
            pltpu.VMEM_SHARED((NPAD, D), jnp.float32),
        ],
    )
    return deg, scat


BR = 512
GRID = NPAD // BR


def _dis_from_cnt(cnt_ref):
    cnt = cnt_ref[0, :] + cnt_ref[1, :]
    return lax.rsqrt(cnt + 1.0)[:, None]


def _mm1_body(cnt_ref, x_ref, w_ref, o_ref):
    h = jnp.dot(x_ref[...], w_ref[...], preferred_element_type=jnp.float32)
    o_ref[...] = h * _dis_from_cnt(cnt_ref)


def _mid_body(cnt_ref, s2_ref, hp_ref, b_ref, g_ref, be_ref, w_ref, o_ref):
    dis = _dis_from_cnt(cnt_ref)
    conv = dis * (s2_ref[0] + s2_ref[1] + hp_ref[...]) + b_ref[...]
    a = jnp.maximum(g_ref[...] * (conv * INVC) + be_ref[...], 0.0)
    o_ref[...] = jnp.dot(a, w_ref[...], preferred_element_type=jnp.float32) * dis


def _final_body(cnt_ref, s2_ref, hp_ref, b_ref, o_ref):
    dis = _dis_from_cnt(cnt_ref)
    o_ref[...] = dis * (s2_ref[0] + s2_ref[1] + hp_ref[...]) + b_ref[...]


_cnt_spec = pl.BlockSpec((2, BR), lambda i: (0, i))
_row_spec = pl.BlockSpec((BR, D), lambda i: (i, 0))
_s2_spec = pl.BlockSpec((2, BR, D), lambda i: (0, i, 0))
_vec_spec = pl.BlockSpec((1, D), lambda i: (0, 0))
_w_spec = pl.BlockSpec((D, D), lambda i: (0, 0))
_out_sds = jax.ShapeDtypeStruct((NPAD, D), jnp.float32)

_mm1 = pl.pallas_call(
    _mm1_body, grid=(GRID,),
    in_specs=[_cnt_spec, _row_spec, _w_spec],
    out_specs=_row_spec, out_shape=_out_sds)

_mid = pl.pallas_call(
    _mid_body, grid=(GRID,),
    in_specs=[_cnt_spec, _s2_spec, _row_spec, _vec_spec, _vec_spec, _vec_spec,
              _w_spec],
    out_specs=_row_spec, out_shape=_out_sds)

_final = pl.pallas_call(
    _final_body, grid=(GRID,),
    in_specs=[_cnt_spec, _s2_spec, _row_spec, _vec_spec],
    out_specs=_row_spec,
    out_shape=jax.ShapeDtypeStruct((N, D), jnp.float32))


def kernel(x, edge_index, W1, b1, g1, be1, W2, b2, g2, be2, W3, b3):
    pad_idx = (N + (jnp.arange(EP - E, dtype=jnp.int32) % (NPAD - N)))
    src_f = jnp.concatenate([edge_index[0], pad_idx])
    dst_f = jnp.concatenate([edge_index[1], pad_idx])
    dst_p = dst_f.reshape(NC, NS, NCHUNK, CHUNK)
    src_p = src_f.reshape(NC, NS, NCHUNK, CHUNK)
    zdeg = jnp.zeros((RPS,), jnp.float32)
    zrows = jnp.zeros((RPS, D), jnp.float32)
    b1r, b2r, b3r = b1.reshape(1, D), b2.reshape(1, D), b3.reshape(1, D)
    g1r, g2r = g1.reshape(1, D), g2.reshape(1, D)
    be1r, be2r = be1.reshape(1, D), be2.reshape(1, D)

    deg_kernel, scatter_kernel = _sc_kernels()
    cnt = deg_kernel(dst_p, zdeg)
    h1 = _mm1(cnt, x, W1)
    s2 = scatter_kernel(h1, src_p, dst_p, zrows)
    h2 = _mid(cnt, s2, h1, b1r, g1r, be1r, W2)
    s2 = scatter_kernel(h2, src_p, dst_p, zrows)
    h3 = _mid(cnt, s2, h2, b2r, g2r, be2r, W3)
    s2 = scatter_kernel(h3, src_p, dst_p, zrows)
    return _final(cnt, s2, h3, b3r)

# --- scband reference (transcript-rebuilt; emitter-appended) ---
"""Pipeline reference for scband-gcn-24481313587807 (READ-ONLY COPY).

The authoritative reference and input builder live on the scoring server;
editing this copy changes nothing except your own understanding.
"""

import jax, jax.numpy as jnp
import numpy as np

N = 10000
E = 320000
D = 128
EPS = 1e-5


def setup_inputs(seed: int = 0) -> dict:
    key = jax.random.key(seed)
    ks = jax.random.split(key, 8)
    x = jax.random.normal(ks[0], (N, D), dtype=jnp.float32)
    edge_index = jax.random.randint(ks[1], (2, E), 0, N, dtype=jnp.int32)
    s = 1.0 / np.sqrt(D)
    W1 = jax.random.uniform(ks[2], (D, D), minval=-s, maxval=s, dtype=jnp.float32)
    W2 = jax.random.uniform(ks[3], (D, D), minval=-s, maxval=s, dtype=jnp.float32)
    W3 = jax.random.uniform(ks[4], (D, D), minval=-s, maxval=s, dtype=jnp.float32)
    b1 = jnp.zeros((D,), dtype=jnp.float32)
    b2 = jnp.zeros((D,), dtype=jnp.float32)
    b3 = jnp.zeros((D,), dtype=jnp.float32)
    g1 = jnp.ones((D,), dtype=jnp.float32)
    g2 = jnp.ones((D,), dtype=jnp.float32)
    be1 = jnp.zeros((D,), dtype=jnp.float32)
    be2 = jnp.zeros((D,), dtype=jnp.float32)
    return {"x": x, "edge_index": edge_index, "W1": W1, "b1": b1, "g1": g1,
            "be1": be1, "W2": W2, "b2": b2, "g2": g2, "be2": be2,
            "W3": W3, "b3": b3}


def gcn_conv(x, edge_index, W, b):
    # PyG GCNConv: add self-loops, symmetric normalization, x @ W, scatter-add, + bias
    loop = jnp.arange(N, dtype=edge_index.dtype)
    src = jnp.concatenate([edge_index[0], loop])
    dst = jnp.concatenate([edge_index[1], loop])
    deg = jnp.zeros((N,), dtype=x.dtype).at[dst].add(1.0)
    dis = jnp.where(deg > 0, deg ** -0.5, 0.0)
    norm = dis[src] * dis[dst]
    h = x @ W
    msg = norm[:, None] * jnp.take(h, src, axis=0)
    out = jnp.zeros((N, h.shape[1]), dtype=h.dtype).at[dst].add(msg)
    return out + b


def batchnorm_eval(h, gamma, beta):
    # eval mode: running_mean=0, running_var=1
    return gamma * (h / jnp.sqrt(1.0 + EPS)) + beta


def reference(x, edge_index, W1, b1, g1, be1, W2, b2, g2, be2, W3, b3):
    h = gcn_conv(x, edge_index, W1, b1)
    h = batchnorm_eval(h, g1, be1)
    h = jax.nn.relu(h)
    # dropout is a no-op in eval mode
    h = gcn_conv(h, edge_index, W2, b2)
    h = batchnorm_eval(h, g2, be2)
    h = jax.nn.relu(h)
    return gcn_conv(h, edge_index, W3, b3)

if __name__ == "__main__":
    import jax
    _d = setup_inputs()
    print(jax.jit(kernel)(*tuple(_d.values())))

</pallas_src>

<mosaic_0001>
#map = affine_map<(d0, d1) -> (0, 0)>
#map1 = affine_map<(d0, d1) -> (0, 0, 0, 0)>
#map2 = affine_map<(d0, d1) -> (0, 0, 0)>
module attributes {stable_mosaic.version = 14 : i64} {
  func.func @_scatter_body(%arg0: i32, %arg1: i32, %arg2: memref<10240x128xf32, #tpu.memory_space<hbm>>, %arg3: memref<2x16x80x128xi32, #tpu.memory_space<hbm>>, %arg4: memref<2x16x80x128xi32, #tpu.memory_space<hbm>>, %arg5: memref<640x128xf32, #tpu.memory_space<hbm>>, %arg6: memref<2x10240x128xf32, #tpu.memory_space<hbm>>, %arg7: memref<80x128xi32, #tpu.memory_space<vmem>>, %arg8: memref<80x128xi32, #tpu.memory_space<vmem>>, %arg9: memref<128x128xf32, #tpu.memory_space<vmem>>, %arg10: memref<!tpu.dma_semaphore, #tpu.memory_space<semaphore_mem>>, %arg11: memref<!tpu.dma_semaphore, #tpu.memory_space<semaphore_mem>>, %arg12: memref<!tpu.dma_semaphore, #tpu.memory_space<semaphore_mem>>, %arg13: memref<10240x128xf32, #tpu.memory_space<vmem_shared>>) attributes {dimension_semantics = [#tpu.dimension_semantics<core_parallel>, #tpu.dimension_semantics<subcore_parallel>], iteration_bounds = array<i64: 2, 16>, scalar_prefetch = 0 : i64, scratch_operands = 7 : i64, tpu.core_type = #tpu.core_type<sc_vector_subcore>, window_params = [{transform_indices = #map}, {transform_indices = #map1}, {transform_indices = #map1}, {transform_indices = #map}, {transform_indices = #map2}]} {
    %dma_start3A = arith.constant 0 : i32
    %dma_start3A_0 = arith.constant 0 : i32
    %dma_start3A_1 = tpu.memref_slice %arg3[%arg0, %arg1, %dma_start3A, %dma_start3A_0] : memref<2x16x80x128xi32, #tpu.memory_space<hbm>> -> memref<1x1x80x128xi32, #tpu.memory_space<hbm>>
    %dma_start3A_2 = tpu.memref_squeeze %dma_start3A_1 : memref<1x1x80x128xi32, #tpu.memory_space<hbm>> -> memref<80x128xi32, #tpu.memory_space<hbm>>
    %dma_start3A_3 = arith.constant 0 : i32
    %dma_start3A_4 = arith.constant 0 : i32
    %dma_start3A_5 = tpu.memref_slice %arg3[%arg0, %arg1, %dma_start3A_3, %dma_start3A_4] : memref<2x16x80x128xi32, #tpu.memory_space<hbm>> -> memref<1x1x80x128xi32, #tpu.memory_space<hbm>>
    %dma_start3A_6 = tpu.memref_squeeze %dma_start3A_5 : memref<1x1x80x128xi32, #tpu.memory_space<hbm>> -> memref<80x128xi32, #tpu.memory_space<hbm>>
    tpu.enqueue_dma source(%dma_start3A_6 : memref<80x128xi32, #tpu.memory_space<hbm>>) target(%arg7 : memref<80x128xi32, #tpu.memory_space<vmem>>) target_semaphore(%arg10 : memref<!tpu.dma_semaphore, #tpu.memory_space<semaphore_mem>>)
    %dma_start3A_7 = arith.constant 0 : i32
    %dma_start3A_8 = arith.constant 0 : i32
    %dma_start3A_9 = tpu.memref_slice %arg4[%arg0, %arg1, %dma_start3A_7, %dma_start3A_8] : memref<2x16x80x128xi32, #tpu.memory_space<hbm>> -> memref<1x1x80x128xi32, #tpu.memory_space<hbm>>
    %dma_start3A_10 = tpu.memref_squeeze %dma_start3A_9 : memref<1x1x80x128xi32, #tpu.memory_space<hbm>> -> memref<80x128xi32, #tpu.memory_space<hbm>>
    %dma_start3A_11 = arith.constant 0 : i32
    %dma_start3A_12 = arith.constant 0 : i32
    %dma_start3A_13 = tpu.memref_slice %arg4[%arg0, %arg1, %dma_start3A_11, %dma_start3A_12] : memref<2x16x80x128xi32, #tpu.memory_space<hbm>> -> memref<1x1x80x128xi32, #tpu.memory_space<hbm>>
    %dma_start3A_14 = tpu.memref_squeeze %dma_start3A_13 : memref<1x1x80x128xi32, #tpu.memory_space<hbm>> -> memref<80x128xi32, #tpu.memory_space<hbm>>
    tpu.enqueue_dma source(%dma_start3A_14 : memref<80x128xi32, #tpu.memory_space<hbm>>) target(%arg8 : memref<80x128xi32, #tpu.memory_space<vmem>>) target_semaphore(%arg11 : memref<!tpu.dma_semaphore, #tpu.memory_space<semaphore_mem>>)
    %mul3A = arith.constant 640 : i32
    %mul3A_15 = arith.muli %arg1, %mul3A : i32
    %dma_start3A_16 = arith.constant 0 : i32
    %dma_start3A_17 = tpu.memref_slice %arg13[%mul3A_15, %dma_start3A_16] : memref<10240x128xf32, #tpu.memory_space<vmem_shared>> -> memref<640x128xf32, #tpu.memory_space<vmem_shared>>
    tpu.enqueue_dma source(%arg5 : memref<640x128xf32, #tpu.memory_space<hbm>>) target(%dma_start3A_17 : memref<640x128xf32, #tpu.memory_space<vmem_shared>>) target_semaphore(%arg12 : memref<!tpu.dma_semaphore, #tpu.memory_space<semaphore_mem>>)
    %dma_wait3A = arith.constant 0 : i32
    %dma_wait3A_18 = arith.constant 0 : i32
    %dma_wait3A_19 = tpu.memref_slice %arg3[%arg0, %arg1, %dma_wait3A, %dma_wait3A_18] : memref<2x16x80x128xi32, #tpu.memory_space<hbm>> -> memref<1x1x80x128xi32, #tpu.memory_space<hbm>>
    %dma_wait3A_20 = tpu.memref_squeeze %dma_wait3A_19 : memref<1x1x80x128xi32, #tpu.memory_space<hbm>> -> memref<80x128xi32, #tpu.memory_space<hbm>>
    %dma_wait3A_21 = arith.constant 0 : i32
    %dma_wait3A_22 = arith.constant 0 : i32
    %dma_wait3A_23 = tpu.memref_slice %arg3[%arg0, %arg1, %dma_wait3A_21, %dma_wait3A_22] : memref<2x16x80x128xi32, #tpu.memory_space<hbm>> -> memref<1x1x80x128xi32, #tpu.memory_space<hbm>>
    %dma_wait3A_24 = tpu.memref_squeeze %dma_wait3A_23 : memref<1x1x80x128xi32, #tpu.memory_space<hbm>> -> memref<80x128xi32, #tpu.memory_space<hbm>>
    tpu.wait_dma2 semaphore(%arg10 : memref<!tpu.dma_semaphore, #tpu.memory_space<semaphore_mem>>) src(%dma_wait3A_24 : memref<80x128xi32, #tpu.memory_space<hbm>>) dst(%arg7 : memref<80x128xi32, #tpu.memory_space<vmem>>)
    %dma_wait3A_25 = arith.constant 0 : i32
    %dma_wait3A_26 = arith.constant 0 : i32
    %dma_wait3A_27 = tpu.memref_slice %arg4[%arg0, %arg1, %dma_wait3A_25, %dma_wait3A_26] : memref<2x16x80x128xi32, #tpu.memory_space<hbm>> -> memref<1x1x80x128xi32, #tpu.memory_space<hbm>>
    %dma_wait3A_28 = tpu.memref_squeeze %dma_wait3A_27 : memref<1x1x80x128xi32, #tpu.memory_space<hbm>> -> memref<80x128xi32, #tpu.memory_space<hbm>>
    %dma_wait3A_29 = arith.constant 0 : i32
    %dma_wait3A_30 = arith.constant 0 : i32
    %dma_wait3A_31 = tpu.memref_slice %arg4[%arg0, %arg1, %dma_wait3A_29, %dma_wait3A_30] : memref<2x16x80x128xi32, #tpu.memory_space<hbm>> -> memref<1x1x80x128xi32, #tpu.memory_space<hbm>>
    %dma_wait3A_32 = tpu.memref_squeeze %dma_wait3A_31 : memref<1x1x80x128xi32, #tpu.memory_space<hbm>> -> memref<80x128xi32, #tpu.memory_space<hbm>>
    tpu.wait_dma2 semaphore(%arg11 : memref<!tpu.dma_semaphore, #tpu.memory_space<semaphore_mem>>) src(%dma_wait3A_32 : memref<80x128xi32, #tpu.memory_space<hbm>>) dst(%arg8 : memref<80x128xi32, #tpu.memory_space<vmem>>)
    %dma_wait3A_33 = arith.constant 0 : i32
    %dma_wait3A_34 = tpu.memref_slice %arg13[%mul3A_15, %dma_wait3A_33] : memref<10240x128xf32, #tpu.memory_space<vmem_shared>> -> memref<640x128xf32, #tpu.memory_space<vmem_shared>>
    tpu.wait_dma2 semaphore(%arg12 : memref<!tpu.dma_semaphore, #tpu.memory_space<semaphore_mem>>) src(%arg5 : memref<640x128xf32, #tpu.memory_space<hbm>>) dst(%dma_wait3A_34 : memref<640x128xf32, #tpu.memory_space<vmem_shared>>)
    %barrier3A = arith.constant 0 : index
    tpu.barrier barrier_id(%barrier3A)
    %scan3A = arith.constant 0 : i32
    %scan3A_35 = arith.constant 0 : i32
    %scan3A_36 = arith.constant 80 : i32
    %scan3A_37 = arith.addi %scan3A_35, %scan3A_36 : i32
    %scan3A_38 = arith.constant 1 : i32
    scf.for %scan3A_45 = %scan3A_35 to %scan3A_37 step %scan3A_38  : i32 {
      %dma_start3A_46 = arith.constant 0 : i32
      %dma_start3A_47 = tpu.memref_slice %arg7[%scan3A_45, %dma_start3A_46] : memref<80x128xi32, #tpu.memory_space<vmem>> -> memref<1x128xi32, #tpu.memory_space<vmem>>
      %dma_start3A_48 = tpu.memref_squeeze %dma_start3A_47 : memref<1x128xi32, #tpu.memory_space<vmem>> -> memref<128xi32, #tpu.memory_space<vmem>>
      %dma_start3A_49 = arith.constant 0 : i32
      %dma_start3A_50 = arith.constant 0 : i32
      %dma_start3A_51 = tpu.memref_slice %arg2[%dma_start3A_49, %dma_start3A_50] : memref<10240x128xf32, #tpu.memory_space<hbm>> -> memref<10240x128xf32, #tpu.memory_space<hbm>>
      tpu.enqueue_indirect_dma source(%dma_start3A_51 : memref<10240x128xf32, #tpu.memory_space<hbm>>) target(%arg9 : memref<128x128xf32, #tpu.memory_space<vmem>>) offsets(%dma_start3A_48 : memref<128xi32, #tpu.memory_space<vmem>>) semaphore(%arg10 : memref<!tpu.dma_semaphore, #tpu.memory_space<semaphore_mem>>)
      %dma_wait3A_52 = arith.constant 0 : i32
      %dma_wait3A_53 = tpu.memref_slice %arg7[%scan3A_45, %dma_wait3A_52] : memref<80x128xi32, #tpu.memory_space<vmem>> -> memref<1x128xi32, #tpu.memory_space<vmem>>
      %dma_wait3A_54 = tpu.memref_squeeze %dma_wait3A_53 : memref<1x128xi32, #tpu.memory_space<vmem>> -> memref<128xi32, #tpu.memory_space<vmem>>
      %dma_wait3A_55 = arith.constant 0 : i32
      %dma_wait3A_56 = arith.constant 0 : i32
      %dma_wait3A_57 = tpu.memref_slice %arg2[%dma_wait3A_55, %dma_wait3A_56] : memref<10240x128xf32, #tpu.memory_space<hbm>> -> memref<10240x128xf32, #tpu.memory_space<hbm>>
      tpu.wait_indirect_dma semaphore(%arg10 : memref<!tpu.dma_semaphore, #tpu.memory_space<semaphore_mem>>) src(%dma_wait3A_57 : memref<10240x128xf32, #tpu.memory_space<hbm>>) dst(%arg9 : memref<128x128xf32, #tpu.memory_space<vmem>>)
      %dma_start3A_58 = arith.constant 0 : i32
      %dma_start3A_59 = tpu.memref_slice %arg8[%scan3A_45, %dma_start3A_58] : memref<80x128xi32, #tpu.memory_space<vmem>> -> memref<1x128xi32, #tpu.memory_space<vmem>>
      %dma_start3A_60 = tpu.memref_squeeze %dma_start3A_59 : memref<1x128xi32, #tpu.memory_space<vmem>> -> memref<128xi32, #tpu.memory_space<vmem>>
      %dma_start3A_61 = arith.constant 0 : i32
      %dma_start3A_62 = arith.constant 0 : i32
      %dma_start3A_63 = tpu.memref_slice %arg13[%dma_start3A_61, %dma_start3A_62] : memref<10240x128xf32, #tpu.memory_space<vmem_shared>> -> memref<10240x128xf32, #tpu.memory_space<vmem_shared>>
      tpu.enqueue_indirect_dma source(%arg9 : memref<128x128xf32, #tpu.memory_space<vmem>>) target(%dma_start3A_63 : memref<10240x128xf32, #tpu.memory_space<vmem_shared>>) offsets(%dma_start3A_60 : memref<128xi32, #tpu.memory_space<vmem>>) semaphore(%arg11 : memref<!tpu.dma_semaphore, #tpu.memory_space<semaphore_mem>>) {add = true}
      %dma_wait3A_64 = arith.constant 0 : i32
      %dma_wait3A_65 = tpu.memref_slice %arg8[%scan3A_45, %dma_wait3A_64] : memref<80x128xi32, #tpu.memory_space<vmem>> -> memref<1x128xi32, #tpu.memory_space<vmem>>
      %dma_wait3A_66 = tpu.memref_squeeze %dma_wait3A_65 : memref<1x128xi32, #tpu.memory_space<vmem>> -> memref<128xi32, #tpu.memory_space<vmem>>
      %dma_wait3A_67 = arith.constant 0 : i32
      %dma_wait3A_68 = arith.constant 0 : i32
      %dma_wait3A_69 = tpu.memref_slice %arg13[%dma_wait3A_67, %dma_wait3A_68] : memref<10240x128xf32, #tpu.memory_space<vmem_shared>> -> memref<10240x128xf32, #tpu.memory_space<vmem_shared>>
      tpu.wait_indirect_dma semaphore(%arg11 : memref<!tpu.dma_semaphore, #tpu.memory_space<semaphore_mem>>) src(%arg9 : memref<128x128xf32, #tpu.memory_space<vmem>>) dst(%dma_wait3A_69 : memref<10240x128xf32, #tpu.memory_space<vmem_shared>>)
    }
    %scan3A_39 = arith.constant 80 : i32
    %barrier3A_40 = arith.constant 0 : index
    tpu.barrier barrier_id(%barrier3A_40)
    %mul3A_41 = arith.constant 640 : i32
    %mul3A_42 = arith.muli %arg1, %mul3A_41 : i32
    %mul3A_43 = arith.constant 640 : i32
    %mul3A_44 = arith.muli %arg1, %mul3A_43 : i32
    "tpu.region"() ({
      %run_scoped3A = tpu.sem_alloc : memref<!tpu.dma_semaphore, #tpu.memory_space<semaphore_mem>>
      %dma_start3A_45 = arith.constant 0 : i32
      %dma_start3A_46 = tpu.memref_slice %arg6[%arg0, %mul3A_44, %dma_start3A_45] : memref<2x10240x128xf32, #tpu.memory_space<hbm>> -> memref<1x640x128xf32, #tpu.memory_space<hbm>>
      %dma_start3A_47 = tpu.memref_squeeze %dma_start3A_46 : memref<1x640x128xf32, #tpu.memory_space<hbm>> -> memref<640x128xf32, #tpu.memory_space<hbm>>
      %dma_start3A_48 = arith.constant 0 : i32
      %dma_start3A_49 = tpu.memref_slice %arg13[%mul3A_42, %dma_start3A_48] : memref<10240x128xf32, #tpu.memory_space<vmem_shared>> -> memref<640x128xf32, #tpu.memory_space<vmem_shared>>
      tpu.enqueue_dma source(%dma_start3A_49 : memref<640x128xf32, #tpu.memory_space<vmem_shared>>) target(%dma_start3A_47 : memref<640x128xf32, #tpu.memory_space<hbm>>) target_semaphore(%run_scoped3A : memref<!tpu.dma_semaphore, #tpu.memory_space<semaphore_mem>>)
      %dma_wait3A_50 = arith.constant 0 : i32
      %dma_wait3A_51 = tpu.memref_slice %arg6[%arg0, %mul3A_44, %dma_wait3A_50] : memref<2x10240x128xf32, #tpu.memory_space<hbm>> -> memref<1x640x128xf32, #tpu.memory_space<hbm>>
      %dma_wait3A_52 = tpu.memref_squeeze %dma_wait3A_51 : memref<1x640x128xf32, #tpu.memory_space<hbm>> -> memref<640x128xf32, #tpu.memory_space<hbm>>
      %dma_wait3A_53 = arith.constant 0 : i32
      %dma_wait3A_54 = tpu.memref_slice %arg13[%mul3A_42, %dma_wait3A_53] : memref<10240x128xf32, #tpu.memory_space<vmem_shared>> -> memref<640x128xf32, #tpu.memory_space<vmem_shared>>
      tpu.wait_dma2 semaphore(%run_scoped3A : memref<!tpu.dma_semaphore, #tpu.memory_space<semaphore_mem>>) src(%dma_wait3A_54 : memref<640x128xf32, #tpu.memory_space<vmem_shared>>) dst(%dma_wait3A_52 : memref<640x128xf32, #tpu.memory_space<hbm>>)
      tpu.yield
    }) : () -> ()
    return
  }
}

#map = affine_map<(d0, d1) -> (0, 0)>
#map1 = affine_map<(d0, d1) -> (0, 0, 0, 0)>
#map2 = affine_map<(d0, d1) -> (0, 0, 0)>
module attributes {stable_mosaic.version = 14 : i64} {
  func.func @_scatter_body(%arg0: i32, %arg1: i32, %arg2: memref<10240x128xf32, #tpu.memory_space<hbm>>, %arg3: memref<2x16x80x128xi32, #tpu.memory_space<hbm>>, %arg4: memref<2x16x80x128xi32, #tpu.memory_space<hbm>>, %arg5: memref<640x128xf32, #tpu.memory_space<hbm>>, %arg6: memref<2x10240x128xf32, #tpu.memory_space<hbm>>, %arg7: memref<80x128xi32, #tpu.memory_space<vmem>>, %arg8: memref<80x128xi32, #tpu.memory_space<vmem>>, %arg9: memref<128x128xf32, #tpu.memory_space<vmem>>, %arg10: memref<!tpu.dma_semaphore, #tpu.memory_space<semaphore_mem>>, %arg11: memref<!tpu.dma_semaphore, #tpu.memory_space<semaphore_mem>>, %arg12: memref<!tpu.dma_semaphore, #tpu.memory_space<semaphore_mem>>, %arg13: memref<10240x128xf32, #tpu.memory_space<vmem_shared>>) attributes {dimension_semantics = [#tpu.dimension_semantics<core_parallel>, #tpu.dimension_semantics<subcore_parallel>], iteration_bounds = array<i64: 2, 16>, scalar_prefetch = 0 : i64, scratch_operands = 7 : i64, tpu.core_type = #tpu.core_type<sc_vector_subcore>, window_params = [{transform_indices = #map}, {transform_indices = #map1}, {transform_indices = #map1}, {transform_indices = #map}, {transform_indices = #map2}]} {
    %dma_start3A = arith.constant 0 : i32
    %dma_start3A_0 = arith.constant 0 : i32
    %dma_start3A_1 = tpu.memref_slice %arg3[%arg0, %arg1, %dma_start3A, %dma_start3A_0] : memref<2x16x80x128xi32, #tpu.memory_space<hbm>> -> memref<1x1x80x128xi32, #tpu.memory_space<hbm>>
    %dma_start3A_2 = tpu.memref_squeeze %dma_start3A_1 : memref<1x1x80x128xi32, #tpu.memory_space<hbm>> -> memref<80x128xi32, #tpu.memory_space<hbm>>
    %dma_start3A_3 = arith.constant 0 : i32
    %dma_start3A_4 = arith.constant 0 : i32
    %dma_start3A_5 = tpu.memref_slice %arg3[%arg0, %arg1, %dma_start3A_3, %dma_start3A_4] : memref<2x16x80x128xi32, #tpu.memory_space<hbm>> -> memref<1x1x80x128xi32, #tpu.memory_space<hbm>>
    %dma_start3A_6 = tpu.memref_squeeze %dma_start3A_5 : memref<1x1x80x128xi32, #tpu.memory_space<hbm>> -> memref<80x128xi32, #tpu.memory_space<hbm>>
    tpu.enqueue_dma source(%dma_start3A_6 : memref<80x128xi32, #tpu.memory_space<hbm>>) target(%arg7 : memref<80x128xi32, #tpu.memory_space<vmem>>) target_semaphore(%arg10 : memref<!tpu.dma_semaphore, #tpu.memory_space<semaphore_mem>>)
    %dma_start3A_7 = arith.constant 0 : i32
    %dma_start3A_8 = arith.constant 0 : i32
    %dma_start3A_9 = tpu.memref_slice %arg4[%arg0, %arg1, %dma_start3A_7, %dma_start3A_8] : memref<2x16x80x128xi32, #tpu.memory_space<hbm>> -> memref<1x1x80x128xi32, #tpu.memory_space<hbm>>
    %dma_start3A_10 = tpu.memref_squeeze %dma_start3A_9 : memref<1x1x80x128xi32, #tpu.memory_space<hbm>> -> memref<80x128xi32, #tpu.memory_space<hbm>>
    %dma_start3A_11 = arith.constant 0 : i32
    %dma_start3A_12 = arith.constant 0 : i32
    %dma_start3A_13 = tpu.memref_slice %arg4[%arg0, %arg1, %dma_start3A_11, %dma_start3A_12] : memref<2x16x80x128xi32, #tpu.memory_space<hbm>> -> memref<1x1x80x128xi32, #tpu.memory_space<hbm>>
    %dma_start3A_14 = tpu.memref_squeeze %dma_start3A_13 : memref<1x1x80x128xi32, #tpu.memory_space<hbm>> -> memref<80x128xi32, #tpu.memory_space<hbm>>
    tpu.enqueue_dma source(%dma_start3A_14 : memref<80x128xi32, #tpu.memory_space<hbm>>) target(%arg8 : memref<80x128xi32, #tpu.memory_space<vmem>>) target_semaphore(%arg11 : memref<!tpu.dma_semaphore, #tpu.memory_space<semaphore_mem>>)
    %mul3A = arith.constant 640 : i32
    %mul3A_15 = arith.muli %arg1, %mul3A : i32
    %dma_start3A_16 = arith.constant 0 : i32
    %dma_start3A_17 = tpu.memref_slice %arg13[%mul3A_15, %dma_start3A_16] : memref<10240x128xf32, #tpu.memory_space<vmem_shared>> -> memref<640x128xf32, #tpu.memory_space<vmem_shared>>
    tpu.enqueue_dma source(%arg5 : memref<640x128xf32, #tpu.memory_space<hbm>>) target(%dma_start3A_17 : memref<640x128xf32, #tpu.memory_space<vmem_shared>>) target_semaphore(%arg12 : memref<!tpu.dma_semaphore, #tpu.memory_space<semaphore_mem>>)
    %dma_wait3A = arith.constant 0 : i32
    %dma_wait3A_18 = arith.constant 0 : i32
    %dma_wait3A_19 = tpu.memref_slice %arg3[%arg0, %arg1, %dma_wait3A, %dma_wait3A_18] : memref<2x16x80x128xi32, #tpu.memory_space<hbm>> -> memref<1x1x80x128xi32, #tpu.memory_space<hbm>>
    %dma_wait3A_20 = tpu.memref_squeeze %dma_wait3A_19 : memref<1x1x80x128xi32, #tpu.memory_space<hbm>> -> memref<80x128xi32, #tpu.memory_space<hbm>>
    %dma_wait3A_21 = arith.constant 0 : i32
    %dma_wait3A_22 = arith.constant 0 : i32
    %dma_wait3A_23 = tpu.memref_slice %arg3[%arg0, %arg1, %dma_wait3A_21, %dma_wait3A_22] : memref<2x16x80x128xi32, #tpu.memory_space<hbm>> -> memref<1x1x80x128xi32, #tpu.memory_space<hbm>>
    %dma_wait3A_24 = tpu.memref_squeeze %dma_wait3A_23 : memref<1x1x80x128xi32, #tpu.memory_space<hbm>> -> memref<80x128xi32, #tpu.memory_space<hbm>>
    tpu.wait_dma2 semaphore(%arg10 : memref<!tpu.dma_semaphore, #tpu.memory_space<semaphore_mem>>) src(%dma_wait3A_24 : memref<80x128xi32, #tpu.memory_space<hbm>>) dst(%arg7 : memref<80x128xi32, #tpu.memory_space<vmem>>)
    %dma_wait3A_25 = arith.constant 0 : i32
    %dma_wait3A_26 = arith.constant 0 : i32
    %dma_wait3A_27 = tpu.memref_slice %arg4[%arg0, %arg1, %dma_wait3A_25, %dma_wait3A_26] : memref<2x16x80x128xi32, #tpu.memory_space<hbm>> -> memref<1x1x80x128xi32, #tpu.memory_space<hbm>>
    %dma_wait3A_28 = tpu.memref_squeeze %dma_wait3A_27 : memref<1x1x80x128xi32, #tpu.memory_space<hbm>> -> memref<80x128xi32, #tpu.memory_space<hbm>>
    %dma_wait3A_29 = arith.constant 0 : i32
    %dma_wait3A_30 = arith.constant 0 : i32
    %dma_wait3A_31 = tpu.memref_slice %arg4[%arg0, %arg1, %dma_wait3A_29, %dma_wait3A_30] : memref<2x16x80x128xi32, #tpu.memory_space<hbm>> -> memref<1x1x80x128xi32, #tpu.memory_space<hbm>>
    %dma_wait3A_32 = tpu.memref_squeeze %dma_wait3A_31 : memref<1x1x80x128xi32, #tpu.memory_space<hbm>> -> memref<80x128xi32, #tpu.memory_space<hbm>>
    tpu.wait_dma2 semaphore(%arg11 : memref<!tpu.dma_semaphore, #tpu.memory_space<semaphore_mem>>) src(%dma_wait3A_32 : memref<80x128xi32, #tpu.memory_space<hbm>>) dst(%arg8 : memref<80x128xi32, #tpu.memory_space<vmem>>)
    %dma_wait3A_33 = arith.constant 0 : i32
    %dma_wait3A_34 = tpu.memref_slice %arg13[%mul3A_15, %dma_wait3A_33] : memref<10240x128xf32, #tpu.memory_space<vmem_shared>> -> memref<640x128xf32, #tpu.memory_space<vmem_shared>>
    tpu.wait_dma2 semaphore(%arg12 : memref<!tpu.dma_semaphore, #tpu.memory_space<semaphore_mem>>) src(%arg5 : memref<640x128xf32, #tpu.memory_space<hbm>>) dst(%dma_wait3A_34 : memref<640x128xf32, #tpu.memory_space<vmem_shared>>)
    %barrier3A = arith.constant 0 : index
    tpu.barrier barrier_id(%barrier3A)
    %scan3A = arith.constant 0 : i32
    %scan3A_35 = arith.constant 0 : i32
    %scan3A_36 = arith.constant 80 : i32
    %scan3A_37 = arith.addi %scan3A_35, %scan3A_36 : i32
    %scan3A_38 = arith.constant 1 : i32
    scf.for %scan3A_45 = %scan3A_35 to %scan3A_37 step %scan3A_38  : i32 {
      %dma_start3A_46 = arith.constant 0 : i32
      %dma_start3A_47 = tpu.memref_slice %arg7[%scan3A_45, %dma_start3A_46] : memref<80x128xi32, #tpu.memory_space<vmem>> -> memref<1x128xi32, #tpu.memory_space<vmem>>
      %dma_start3A_48 = tpu.memref_squeeze %dma_start3A_47 : memref<1x128xi32, #tpu.memory_space<vmem>> -> memref<128xi32, #tpu.memory_space<vmem>>
      %dma_start3A_49 = arith.constant 0 : i32
      %dma_start3A_50 = arith.constant 0 : i32
      %dma_start3A_51 = tpu.memref_slice %arg2[%dma_start3A_49, %dma_start3A_50] : memref<10240x128xf32, #tpu.memory_space<hbm>> -> memref<10240x128xf32, #tpu.memory_space<hbm>>
      tpu.enqueue_indirect_dma source(%dma_start3A_51 : memref<10240x128xf32, #tpu.memory_space<hbm>>) target(%arg9 : memref<128x128xf32, #tpu.memory_space<vmem>>) offsets(%dma_start3A_48 : memref<128xi32, #tpu.memory_space<vmem>>) semaphore(%arg10 : memref<!tpu.dma_semaphore, #tpu.memory_space<semaphore_mem>>)
      %dma_wait3A_52 = arith.constant 0 : i32
      %dma_wait3A_53 = tpu.memref_slice %arg7[%scan3A_45, %dma_wait3A_52] : memref<80x128xi32, #tpu.memory_space<vmem>> -> memref<1x128xi32, #tpu.memory_space<vmem>>
      %dma_wait3A_54 = tpu.memref_squeeze %dma_wait3A_53 : memref<1x128xi32, #tpu.memory_space<vmem>> -> memref<128xi32, #tpu.memory_space<vmem>>
      %dma_wait3A_55 = arith.constant 0 : i32
      %dma_wait3A_56 = arith.constant 0 : i32
      %dma_wait3A_57 = tpu.memref_slice %arg2[%dma_wait3A_55, %dma_wait3A_56] : memref<10240x128xf32, #tpu.memory_space<hbm>> -> memref<10240x128xf32, #tpu.memory_space<hbm>>
      tpu.wait_indirect_dma semaphore(%arg10 : memref<!tpu.dma_semaphore, #tpu.memory_space<semaphore_mem>>) src(%dma_wait3A_57 : memref<10240x128xf32, #tpu.memory_space<hbm>>) dst(%arg9 : memref<128x128xf32, #tpu.memory_space<vmem>>)
      %dma_start3A_58 = arith.constant 0 : i32
      %dma_start3A_59 = tpu.memref_slice %arg8[%scan3A_45, %dma_start3A_58] : memref<80x128xi32, #tpu.memory_space<vmem>> -> memref<1x128xi32, #tpu.memory_space<vmem>>
      %dma_start3A_60 = tpu.memref_squeeze %dma_start3A_59 : memref<1x128xi32, #tpu.memory_space<vmem>> -> memref<128xi32, #tpu.memory_space<vmem>>
      %dma_start3A_61 = arith.constant 0 : i32
      %dma_start3A_62 = arith.constant 0 : i32
      %dma_start3A_63 = tpu.memref_slice %arg13[%dma_start3A_61, %dma_start3A_62] : memref<10240x128xf32, #tpu.memory_space<vmem_shared>> -> memref<10240x128xf32, #tpu.memory_space<vmem_shared>>
      tpu.enqueue_indirect_dma source(%arg9 : memref<128x128xf32, #tpu.memory_space<vmem>>) target(%dma_start3A_63 : memref<10240x128xf32, #tpu.memory_space<vmem_shared>>) offsets(%dma_start3A_60 : memref<128xi32, #tpu.memory_space<vmem>>) semaphore(%arg11 : memref<!tpu.dma_semaphore, #tpu.memory_space<semaphore_mem>>) {add = true}
      %dma_wait3A_64 = arith.constant 0 : i32
      %dma_wait3A_65 = tpu.memref_slice %arg8[%scan3A_45, %dma_wait3A_64] : memref<80x128xi32, #tpu.memory_space<vmem>> -> memref<1x128xi32, #tpu.memory_space<vmem>>
      %dma_wait3A_66 = tpu.memref_squeeze %dma_wait3A_65 : memref<1x128xi32, #tpu.memory_space<vmem>> -> memref<128xi32, #tpu.memory_space<vmem>>
      %dma_wait3A_67 = arith.constant 0 : i32
      %dma_wait3A_68 = arith.constant 0 : i32
      %dma_wait3A_69 = tpu.memref_slice %arg13[%dma_wait3A_67, %dma_wait3A_68] : memref<10240x128xf32, #tpu.memory_space<vmem_shared>> -> memref<10240x128xf32, #tpu.memory_space<vmem_shared>>
      tpu.wait_indirect_dma semaphore(%arg11 : memref<!tpu.dma_semaphore, #tpu.memory_space<semaphore_mem>>) src(%arg9 : memref<128x128xf32, #tpu.memory_space<vmem>>) dst(%dma_wait3A_69 : memref<10240x128xf32, #tpu.memory_space<vmem_shared>>)
    }
    %scan3A_39 = arith.constant 80 : i32
    %barrier3A_40 = arith.constant 0 : index
    tpu.barrier barrier_id(%barrier3A_40)
    %mul3A_41 = arith.constant 640 : i32
    %mul3A_42 = arith.muli %arg1, %mul3A_41 : i32
    %mul3A_43 = arith.constant 640 : i32
    %mul3A_44 = arith.muli %arg1, %mul3A_43 : i32
    "tpu.region"() ({
      %run_scoped3A = tpu.sem_alloc : memref<!tpu.dma_semaphore, #tpu.memory_space<semaphore_mem>>
      %dma_start3A_45 = arith.constant 0 : i32
      %dma_start3A_46 = tpu.memref_slice %arg6[%arg0, %mul3A_44, %dma_start3A_45] : memref<2x10240x128xf32, #tpu.memory_space<hbm>> -> memref<1x640x128xf32, #tpu.memory_space<hbm>>
      %dma_start3A_47 = tpu.memref_squeeze %dma_start3A_46 : memref<1x640x128xf32, #tpu.memory_space<hbm>> -> memref<640x128xf32, #tpu.memory_space<hbm>>
      %dma_start3A_48 = arith.constant 0 : i32
      %dma_start3A_49 = tpu.memref_slice %arg13[%mul3A_42, %dma_start3A_48] : memref<10240x128xf32, #tpu.memory_space<vmem_shared>> -> memref<640x128xf32, #tpu.memory_space<vmem_shared>>
      tpu.enqueue_dma source(%dma_start3A_49 : memref<640x128xf32, #tpu.memory_space<vmem_shared>>) target(%dma_start3A_47 : memref<640x128xf32, #tpu.memory_space<hbm>>) target_semaphore(%run_scoped3A : memref<!tpu.dma_semaphore, #tpu.memory_space<semaphore_mem>>)
      %dma_wait3A_50 = arith.constant 0 : i32
      %dma_wait3A_51 = tpu.memref_slice %arg6[%arg0, %mul3A_44, %dma_wait3A_50] : memref<2x10240x128xf32, #tpu.memory_space<hbm>> -> memref<1x640x128xf32, #tpu.memory_space<hbm>>
      %dma_wait3A_52 = tpu.memref_squeeze %dma_wait3A_51 : memref<1x640x128xf32, #tpu.memory_space<hbm>> -> memref<640x128xf32, #tpu.memory_space<hbm>>
      %dma_wait3A_53 = arith.constant 0 : i32
      %dma_wait3A_54 = tpu.memref_slice %arg13[%mul3A_42, %dma_wait3A_53] : memref<10240x128xf32, #tpu.memory_space<vmem_shared>> -> memref<640x128xf32, #tpu.memory_space<vmem_shared>>
      tpu.wait_dma2 semaphore(%run_scoped3A : memref<!tpu.dma_semaphore, #tpu.memory_space<semaphore_mem>>) src(%dma_wait3A_54 : memref<640x128xf32, #tpu.memory_space<vmem_shared>>) dst(%dma_wait3A_52 : memref<640x128xf32, #tpu.memory_space<hbm>>)
      tpu.yield
    }) : () -> ()
    return
  }
}

#map = affine_map<(d0, d1) -> (0, 0, 0, 0)>
#map1 = affine_map<(d0, d1) -> (0)>
#map2 = affine_map<(d0, d1) -> (0, 0)>
module attributes {stable_mosaic.version = 14 : i64} {
  func.func @_deg_body(%arg0: i32, %arg1: i32, %arg2: memref<2x16x80x128xi32, #tpu.memory_space<hbm>>, %arg3: memref<640xf32, #tpu.memory_space<hbm>>, %arg4: memref<2x10240xf32, #tpu.memory_space<hbm>>, %arg5: memref<80x128xi32, #tpu.memory_space<vmem>>, %arg6: memref<128xf32, #tpu.memory_space<vmem>>, %arg7: memref<!tpu.dma_semaphore, #tpu.memory_space<semaphore_mem>>, %arg8: memref<10240xf32, #tpu.memory_space<vmem_shared>>) attributes {dimension_semantics = [#tpu.dimension_semantics<core_parallel>, #tpu.dimension_semantics<subcore_parallel>], iteration_bounds = array<i64: 2, 16>, scalar_prefetch = 0 : i64, scratch_operands = 4 : i64, tpu.core_type = #tpu.core_type<sc_vector_subcore>, window_params = [{transform_indices = #map}, {transform_indices = #map1}, {transform_indices = #map2}]} {
    "tpu.region"() ({
      %run_scoped3A = tpu.sem_alloc : memref<!tpu.dma_semaphore, #tpu.memory_space<semaphore_mem>>
      %dma_start3A = arith.constant 0 : i32
      %dma_start3A_57 = arith.constant 0 : i32
      %dma_start3A_58 = tpu.memref_slice %arg2[%arg0, %arg1, %dma_start3A, %dma_start3A_57] : memref<2x16x80x128xi32, #tpu.memory_space<hbm>> -> memref<1x1x80x128xi32, #tpu.memory_space<hbm>>
      %dma_start3A_59 = tpu.memref_squeeze %dma_start3A_58 : memref<1x1x80x128xi32, #tpu.memory_space<hbm>> -> memref<80x128xi32, #tpu.memory_space<hbm>>
      %dma_start3A_60 = arith.constant 0 : i32
      %dma_start3A_61 = arith.constant 0 : i32
      %dma_start3A_62 = tpu.memref_slice %arg2[%arg0, %arg1, %dma_start3A_60, %dma_start3A_61] : memref<2x16x80x128xi32, #tpu.memory_space<hbm>> -> memref<1x1x80x128xi32, #tpu.memory_space<hbm>>
      %dma_start3A_63 = tpu.memref_squeeze %dma_start3A_62 : memref<1x1x80x128xi32, #tpu.memory_space<hbm>> -> memref<80x128xi32, #tpu.memory_space<hbm>>
      tpu.enqueue_dma source(%dma_start3A_63 : memref<80x128xi32, #tpu.memory_space<hbm>>) target(%arg5 : memref<80x128xi32, #tpu.memory_space<vmem>>) target_semaphore(%run_scoped3A : memref<!tpu.dma_semaphore, #tpu.memory_space<semaphore_mem>>)
      %dma_wait3A = arith.constant 0 : i32
      %dma_wait3A_64 = arith.constant 0 : i32
      %dma_wait3A_65 = tpu.memref_slice %arg2[%arg0, %arg1, %dma_wait3A, %dma_wait3A_64] : memref<2x16x80x128xi32, #tpu.memory_space<hbm>> -> memref<1x1x80x128xi32, #tpu.memory_space<hbm>>
      %dma_wait3A_66 = tpu.memref_squeeze %dma_wait3A_65 : memref<1x1x80x128xi32, #tpu.memory_space<hbm>> -> memref<80x128xi32, #tpu.memory_space<hbm>>
      %dma_wait3A_67 = arith.constant 0 : i32
      %dma_wait3A_68 = arith.constant 0 : i32
      %dma_wait3A_69 = tpu.memref_slice %arg2[%arg0, %arg1, %dma_wait3A_67, %dma_wait3A_68] : memref<2x16x80x128xi32, #tpu.memory_space<hbm>> -> memref<1x1x80x128xi32, #tpu.memory_space<hbm>>
      %dma_wait3A_70 = tpu.memref_squeeze %dma_wait3A_69 : memref<1x1x80x128xi32, #tpu.memory_space<hbm>> -> memref<80x128xi32, #tpu.memory_space<hbm>>
      tpu.wait_dma2 semaphore(%run_scoped3A : memref<!tpu.dma_semaphore, #tpu.memory_space<semaphore_mem>>) src(%dma_wait3A_70 : memref<80x128xi32, #tpu.memory_space<hbm>>) dst(%arg5 : memref<80x128xi32, #tpu.memory_space<vmem>>)
      tpu.yield
    }) : () -> ()
    %broadcast_in_dim3A = arith.constant 1.000000e+00 : f32
    %broadcast_in_dim3A_0 = vector.broadcast %broadcast_in_dim3A : f32 to vector<16xf32>
    %swap3A = arith.constant 0 : index
    %swap3A_1 = tpu.vector_load %arg6[%swap3A] {strides = array<i32>} : memref<128xf32, #tpu.memory_space<vmem>>, vector<16xf32>,
    %swap3A_2 = vector.shape_cast %swap3A_1 : vector<16xf32> to vector<16xf32>
    %swap3A_3 = vector.shape_cast %broadcast_in_dim3A_0 : vector<16xf32> to vector<16xf32>
    tpu.vector_store %arg6[%swap3A], %swap3A_3 {strides = array<i32>} : memref<128xf32, #tpu.memory_space<vmem>>, vector<16xf32>,
    %broadcast_in_dim3A_4 = arith.constant 1.000000e+00 : f32
    %broadcast_in_dim3A_5 = vector.broadcast %broadcast_in_dim3A_4 : f32 to vector<16xf32>
    %swap3A_6 = arith.constant 16 : index
    %swap3A_7 = tpu.vector_load %arg6[%swap3A_6] {strides = array<i32>} : memref<128xf32, #tpu.memory_space<vmem>>, vector<16xf32>,
    %swap3A_8 = vector.shape_cast %swap3A_7 : vector<16xf32> to vector<16xf32>
    %swap3A_9 = vector.shape_cast %broadcast_in_dim3A_5 : vector<16xf32> to vector<16xf32>
    tpu.vector_store %arg6[%swap3A_6], %swap3A_9 {strides = array<i32>} : memref<128xf32, #tpu.memory_space<vmem>>, vector<16xf32>,
    %broadcast_in_dim3A_10 = arith.constant 1.000000e+00 : f32
    %broadcast_in_dim3A_11 = vector.broadcast %broadcast_in_dim3A_10 : f32 to vector<16xf32>
    %swap3A_12 = arith.constant 32 : index
    %swap3A_13 = tpu.vector_load %arg6[%swap3A_12] {strides = array<i32>} : memref<128xf32, #tpu.memory_space<vmem>>, vector<16xf32>,
    %swap3A_14 = vector.shape_cast %swap3A_13 : vector<16xf32> to vector<16xf32>
    %swap3A_15 = vector.shape_cast %broadcast_in_dim3A_11 : vector<16xf32> to vector<16xf32>
    tpu.vector_store %arg6[%swap3A_12], %swap3A_15 {strides = array<i32>} : memref<128xf32, #tpu.memory_space<vmem>>, vector<16xf32>,
    %broadcast_in_dim3A_16 = arith.constant 1.000000e+00 : f32
    %broadcast_in_dim3A_17 = vector.broadcast %broadcast_in_dim3A_16 : f32 to vector<16xf32>
    %swap3A_18 = arith.constant 48 : index
    %swap3A_19 = tpu.vector_load %arg6[%swap3A_18] {strides = array<i32>} : memref<128xf32, #tpu.memory_space<vmem>>, vector<16xf32>,
    %swap3A_20 = vector.shape_cast %swap3A_19 : vector<16xf32> to vector<16xf32>
    %swap3A_21 = vector.shape_cast %broadcast_in_dim3A_17 : vector<16xf32> to vector<16xf32>
    tpu.vector_store %arg6[%swap3A_18], %swap3A_21 {strides = array<i32>} : memref<128xf32, #tpu.memory_space<vmem>>, vector<16xf32>,
    %broadcast_in_dim3A_22 = arith.constant 1.000000e+00 : f32
    %broadcast_in_dim3A_23 = vector.broadcast %broadcast_in_dim3A_22 : f32 to vector<16xf32>
    %swap3A_24 = arith.constant 64 : index
    %swap3A_25 = tpu.vector_load %arg6[%swap3A_24] {strides = array<i32>} : memref<128xf32, #tpu.memory_space<vmem>>, vector<16xf32>,
    %swap3A_26 = vector.shape_cast %swap3A_25 : vector<16xf32> to vector<16xf32>
    %swap3A_27 = vector.shape_cast %broadcast_in_dim3A_23 : vector<16xf32> to vector<16xf32>
    tpu.vector_store %arg6[%swap3A_24], %swap3A_27 {strides = array<i32>} : memref<128xf32, #tpu.memory_space<vmem>>, vector<16xf32>,
    %broadcast_in_dim3A_28 = arith.constant 1.000000e+00 : f32
    %broadcast_in_dim3A_29 = vector.broadcast %broadcast_in_dim3A_28 : f32 to vector<16xf32>
    %swap3A_30 = arith.constant 80 : index
    %swap3A_31 = tpu.vector_load %arg6[%swap3A_30] {strides = array<i32>} : memref<128xf32, #tpu.memory_space<vmem>>, vector<16xf32>,
    %swap3A_32 = vector.shape_cast %swap3A_31 : vector<16xf32> to vector<16xf32>
    %swap3A_33 = vector.shape_cast %broadcast_in_dim3A_29 : vector<16xf32> to vector<16xf32>
    tpu.vector_store %arg6[%swap3A_30], %swap3A_33 {strides = array<i32>} : memref<128xf32, #tpu.memory_space<vmem>>, vector<16xf32>,
    %broadcast_in_dim3A_34 = arith.constant 1.000000e+00 : f32
    %broadcast_in_dim3A_35 = vector.broadcast %broadcast_in_dim3A_34 : f32 to vector<16xf32>
    %swap3A_36 = arith.constant 96 : index
    %swap3A_37 = tpu.vector_load %arg6[%swap3A_36] {strides = array<i32>} : memref<128xf32, #tpu.memory_space<vmem>>, vector<16xf32>,
    %swap3A_38 = vector.shape_cast %swap3A_37 : vector<16xf32> to vector<16xf32>
    %swap3A_39 = vector.shape_cast %broadcast_in_dim3A_35 : vector<16xf32> to vector<16xf32>
    tpu.vector_store %arg6[%swap3A_36], %swap3A_39 {strides = array<i32>} : memref<128xf32, #tpu.memory_space<vmem>>, vector<16xf32>,
    %broadcast_in_dim3A_40 = arith.constant 1.000000e+00 : f32
    %broadcast_in_dim3A_41 = vector.broadcast %broadcast_in_dim3A_40 : f32 to vector<16xf32>
    %swap3A_42 = arith.constant 112 : index
    %swap3A_43 = tpu.vector_load %arg6[%swap3A_42] {strides = array<i32>} : memref<128xf32, #tpu.memory_space<vmem>>, vector<16xf32>,
    %swap3A_44 = vector.shape_cast %swap3A_43 : vector<16xf32> to vector<16xf32>
    %swap3A_45 = vector.shape_cast %broadcast_in_dim3A_41 : vector<16xf32> to vector<16xf32>
    tpu.vector_store %arg6[%swap3A_42], %swap3A_45 {strides = array<i32>} : memref<128xf32, #tpu.memory_space<vmem>>, vector<16xf32>,
    %mul3A = arith.constant 640 : i32
    %mul3A_46 = arith.muli %arg1, %mul3A : i32
    "tpu.region"() ({
      %run_scoped3A = tpu.sem_alloc : memref<!tpu.dma_semaphore, #tpu.memory_space<semaphore_mem>>
      %dma_start3A = tpu.memref_slice %arg8[%mul3A_46] : memref<10240xf32, #tpu.memory_space<vmem_shared>> -> memref<640xf32, #tpu.memory_space<vmem_shared>>
      tpu.enqueue_dma source(%arg3 : memref<640xf32, #tpu.memory_space<hbm>>) target(%dma_start3A : memref<640xf32, #tpu.memory_space<vmem_shared>>) target_semaphore(%run_scoped3A : memref<!tpu.dma_semaphore, #tpu.memory_space<semaphore_mem>>)
      %dma_wait3A = tpu.memref_slice %arg8[%mul3A_46] : memref<10240xf32, #tpu.memory_space<vmem_shared>> -> memref<640xf32, #tpu.memory_space<vmem_shared>>
      tpu.wait_dma2 semaphore(%run_scoped3A : memref<!tpu.dma_semaphore, #tpu.memory_space<semaphore_mem>>) src(%arg3 : memref<640xf32, #tpu.memory_space<hbm>>) dst(%dma_wait3A : memref<640xf32, #tpu.memory_space<vmem_shared>>)
      tpu.yield
    }) : () -> ()
    %barrier3A = arith.constant 0 : index
    tpu.barrier barrier_id(%barrier3A)
    %scan3A = arith.constant 0 : i32
    %scan3A_47 = arith.constant 0 : i32
    %scan3A_48 = arith.constant 10 : i32
    %scan3A_49 = arith.addi %scan3A_47, %scan3A_48 : i32
    %scan3A_50 = arith.constant 1 : i32
    scf.for %scan3A_57 = %scan3A_47 to %scan3A_49 step %scan3A_50  : i32 {
      %mul3A_58 = arith.constant 8 : i32
      %mul3A_59 = arith.muli %scan3A_57, %mul3A_58 : i32
      %add3A = arith.constant 0 : i32
      %add3A_60 = arith.addi %mul3A_59, %add3A : i32
      %dma_start3A = arith.constant 0 : i32
      %dma_start3A_61 = tpu.memref_slice %arg5[%add3A_60, %dma_start3A] : memref<80x128xi32, #tpu.memory_space<vmem>> -> memref<1x128xi32, #tpu.memory_space<vmem>>
      %dma_start3A_62 = tpu.memref_squeeze %dma_start3A_61 : memref<1x128xi32, #tpu.memory_space<vmem>> -> memref<128xi32, #tpu.memory_space<vmem>>
      %dma_start3A_63 = arith.constant 0 : i32
      %dma_start3A_64 = tpu.memref_slice %arg8[%dma_start3A_63] : memref<10240xf32, #tpu.memory_space<vmem_shared>> -> memref<10240xf32, #tpu.memory_space<vmem_shared>>
      tpu.enqueue_indirect_dma source(%arg6 : memref<128xf32, #tpu.memory_space<vmem>>) target(%dma_start3A_64 : memref<10240xf32, #tpu.memory_space<vmem_shared>>) offsets(%dma_start3A_62 : memref<128xi32, #tpu.memory_space<vmem>>) semaphore(%arg7 : memref<!tpu.dma_semaphore, #tpu.memory_space<semaphore_mem>>) {add = true}
      %mul3A_65 = arith.constant 8 : i32
      %mul3A_66 = arith.muli %scan3A_57, %mul3A_65 : i32
      %add3A_67 = arith.constant 1 : i32
      %add3A_68 = arith.addi %mul3A_66, %add3A_67 : i32
      %dma_start3A_69 = arith.constant 0 : i32
      %dma_start3A_70 = tpu.memref_slice %arg5[%add3A_68, %dma_start3A_69] : memref<80x128xi32, #tpu.memory_space<vmem>> -> memref<1x128xi32, #tpu.memory_space<vmem>>
      %dma_start3A_71 = tpu.memref_squeeze %dma_start3A_70 : memref<1x128xi32, #tpu.memory_space<vmem>> -> memref<128xi32, #tpu.memory_space<vmem>>
      %dma_start3A_72 = arith.constant 0 : i32
      %dma_start3A_73 = tpu.memref_slice %arg8[%dma_start3A_72] : memref<10240xf32, #tpu.memory_space<vmem_shared>> -> memref<10240xf32, #tpu.memory_space<vmem_shared>>
      tpu.enqueue_indirect_dma source(%arg6 : memref<128xf32, #tpu.memory_space<vmem>>) target(%dma_start3A_73 : memref<10240xf32, #tpu.memory_space<vmem_shared>>) offsets(%dma_start3A_71 : memref<128xi32, #tpu.memory_space<vmem>>) semaphore(%arg7 : memref<!tpu.dma_semaphore, #tpu.memory_space<semaphore_mem>>) {add = true}
      %mul3A_74 = arith.constant 8 : i32
      %mul3A_75 = arith.muli %scan3A_57, %mul3A_74 : i32
      %add3A_76 = arith.constant 2 : i32
      %add3A_77 = arith.addi %mul3A_75, %add3A_76 : i32
      %dma_start3A_78 = arith.constant 0 : i32
      %dma_start3A_79 = tpu.memref_slice %arg5[%add3A_77, %dma_start3A_78] : memref<80x128xi32, #tpu.memory_space<vmem>> -> memref<1x128xi32, #tpu.memory_space<vmem>>
      %dma_start3A_80 = tpu.memref_squeeze %dma_start3A_79 : memref<1x128xi32, #tpu.memory_space<vmem>> -> memref<128xi32, #tpu.memory_space<vmem>>
      %dma_start3A_81 = arith.constant 0 : i32
      %dma_start3A_82 = tpu.memref_slice %arg8[%dma_start3A_81] : memref<10240xf32, #tpu.memory_space<vmem_shared>> -> memref<10240xf32, #tpu.memory_space<vmem_shared>>
      tpu.enqueue_indirect_dma source(%arg6 : memref<128xf32, #tpu.memory_space<vmem>>) target(%dma_start3A_82 : memref<10240xf32, #tpu.memory_space<vmem_shared>>) offsets(%dma_start3A_80 : memref<128xi32, #tpu.memory_space<vmem>>) semaphore(%arg7 : memref<!tpu.dma_semaphore, #tpu.memory_space<semaphore_mem>>) {add = true}
      %mul3A_83 = arith.constant 8 : i32
      %mul3A_84 = arith.muli %scan3A_57, %mul3A_83 : i32
      %add3A_85 = arith.constant 3 : i32
      %add3A_86 = arith.addi %mul3A_84, %add3A_85 : i32
      %dma_start3A_87 = arith.constant 0 : i32
      %dma_start3A_88 = tpu.memref_slice %arg5[%add3A_86, %dma_start3A_87] : memref<80x128xi32, #tpu.memory_space<vmem>> -> memref<1x128xi32, #tpu.memory_space<vmem>>
      %dma_start3A_89 = tpu.memref_squeeze %dma_start3A_88 : memref<1x128xi32, #tpu.memory_space<vmem>> -> memref<128xi32, #tpu.memory_space<vmem>>
      %dma_start3A_90 = arith.constant 0 : i32
      %dma_start3A_91 = tpu.memref_slice %arg8[%dma_start3A_90] : memref<10240xf32, #tpu.memory_space<vmem_shared>> -> memref<10240xf32, #tpu.memory_space<vmem_shared>>
      tpu.enqueue_indirect_dma source(%arg6 : memref<128xf32, #tpu.memory_space<vmem>>) target(%dma_start3A_91 : memref<10240xf32, #tpu.memory_space<vmem_shared>>) offsets(%dma_start3A_89 : memref<128xi32, #tpu.memory_space<vmem>>) semaphore(%arg7 : memref<!tpu.dma_semaphore, #tpu.memory_space<semaphore_mem>>) {add = true}
      %mul3A_92 = arith.constant 8 : i32
      %mul3A_93 = arith.muli %scan3A_57, %mul3A_92 : i32
      %add3A_94 = arith.constant 4 : i32
      %add3A_95 = arith.addi %mul3A_93, %add3A_94 : i32
      %dma_start3A_96 = arith.constant 0 : i32
      %dma_start3A_97 = tpu.memref_slice %arg5[%add3A_95, %dma_start3A_96] : memref<80x128xi32, #tpu.memory_space<vmem>> -> memref<1x128xi32, #tpu.memory_space<vmem>>
      %dma_start3A_98 = tpu.memref_squeeze %dma_start3A_97 : memref<1x128xi32, #tpu.memory_space<vmem>> -> memref<128xi32, #tpu.memory_space<vmem>>
      %dma_start3A_99 = arith.constant 0 : i32
      %dma_start3A_100 = tpu.memref_slice %arg8[%dma_start3A_99] : memref<10240xf32, #tpu.memory_space<vmem_shared>> -> memref<10240xf32, #tpu.memory_space<vmem_shared>>
      tpu.enqueue_indirect_dma source(%arg6 : memref<128xf32, #tpu.memory_space<vmem>>) target(%dma_start3A_100 : memref<10240xf32, #tpu.memory_space<vmem_shared>>) offsets(%dma_start3A_98 : memref<128xi32, #tpu.memory_space<vmem>>) semaphore(%arg7 : memref<!tpu.dma_semaphore, #tpu.memory_space<semaphore_mem>>) {add = true}
      %mul3A_101 = arith.constant 8 : i32
      %mul3A_102 = arith.muli %scan3A_57, %mul3A_101 : i32
      %add3A_103 = arith.constant 5 : i32
      %add3A_104 = arith.addi %mul3A_102, %add3A_103 : i32
      %dma_start3A_105 = arith.constant 0 : i32
      %dma_start3A_106 = tpu.memref_slice %arg5[%add3A_104, %dma_start3A_105] : memref<80x128xi32, #tpu.memory_space<vmem>> -> memref<1x128xi32, #tpu.memory_space<vmem>>
      %dma_start3A_107 = tpu.memref_squeeze %dma_start3A_106 : memref<1x128xi32, #tpu.memory_space<vmem>> -> memref<128xi32, #tpu.memory_space<vmem>>
      %dma_start3A_108 = arith.constant 0 : i32
      %dma_start3A_109 = tpu.memref_slice %arg8[%dma_start3A_108] : memref<10240xf32, #tpu.memory_space<vmem_shared>> -> memref<10240xf32, #tpu.memory_space<vmem_shared>>
      tpu.enqueue_indirect_dma source(%arg6 : memref<128xf32, #tpu.memory_space<vmem>>) target(%dma_start3A_109 : memref<10240xf32, #tpu.memory_space<vmem_shared>>) offsets(%dma_start3A_107 : memref<128xi32, #tpu.memory_space<vmem>>) semaphore(%arg7 : memref<!tpu.dma_semaphore, #tpu.memory_space<semaphore_mem>>) {add = true}
      %mul3A_110 = arith.constant 8 : i32
      %mul3A_111 = arith.muli %scan3A_57, %mul3A_110 : i32
      %add3A_112 = arith.constant 6 : i32
      %add3A_113 = arith.addi %mul3A_111, %add3A_112 : i32
      %dma_start3A_114 = arith.constant 0 : i32
      %dma_start3A_115 = tpu.memref_slice %arg5[%add3A_113, %dma_start3A_114] : memref<80x128xi32, #tpu.memory_space<vmem>> -> memref<1x128xi32, #tpu.memory_space<vmem>>
      %dma_start3A_116 = tpu.memref_squeeze %dma_start3A_115 : memref<1x128xi32, #tpu.memory_space<vmem>> -> memref<128xi32, #tpu.memory_space<vmem>>
      %dma_start3A_117 = arith.constant 0 : i32
      %dma_start3A_118 = tpu.memref_slice %arg8[%dma_start3A_117] : memref<10240xf32, #tpu.memory_space<vmem_shared>> -> memref<10240xf32, #tpu.memory_space<vmem_shared>>
      tpu.enqueue_indirect_dma source(%arg6 : memref<128xf32, #tpu.memory_space<vmem>>) target(%dma_start3A_118 : memref<10240xf32, #tpu.memory_space<vmem_shared>>) offsets(%dma_start3A_116 : memref<128xi32, #tpu.memory_space<vmem>>) semaphore(%arg7 : memref<!tpu.dma_semaphore, #tpu.memory_space<semaphore_mem>>) {add = true}
      %mul3A_119 = arith.constant 8 : i32
      %mul3A_120 = arith.muli %scan3A_57, %mul3A_119 : i32
      %add3A_121 = arith.constant 7 : i32
      %add3A_122 = arith.addi %mul3A_120, %add3A_121 : i32
      %dma_start3A_123 = arith.constant 0 : i32
      %dma_start3A_124 = tpu.memref_slice %arg5[%add3A_122, %dma_start3A_123] : memref<80x128xi32, #tpu.memory_space<vmem>> -> memref<1x128xi32, #tpu.memory_space<vmem>>
      %dma_start3A_125 = tpu.memref_squeeze %dma_start3A_124 : memref<1x128xi32, #tpu.memory_space<vmem>> -> memref<128xi32, #tpu.memory_space<vmem>>
      %dma_start3A_126 = arith.constant 0 : i32
      %dma_start3A_127 = tpu.memref_slice %arg8[%dma_start3A_126] : memref<10240xf32, #tpu.memory_space<vmem_shared>> -> memref<10240xf32, #tpu.memory_space<vmem_shared>>
      tpu.enqueue_indirect_dma source(%arg6 : memref<128xf32, #tpu.memory_space<vmem>>) target(%dma_start3A_127 : memref<10240xf32, #tpu.memory_space<vmem_shared>>) offsets(%dma_start3A_125 : memref<128xi32, #tpu.memory_space<vmem>>) semaphore(%arg7 : memref<!tpu.dma_semaphore, #tpu.memory_space<semaphore_mem>>) {add = true}
      %mul3A_128 = arith.constant 8 : i32
      %mul3A_129 = arith.muli %scan3A_57, %mul3A_128 : i32
      %add3A_130 = arith.constant 0 : i32
      %add3A_131 = arith.addi %mul3A_129, %add3A_130 : i32
      %dma_wait3A = arith.constant 0 : i32
      %dma_wait3A_132 = tpu.memref_slice %arg5[%add3A_131, %dma_wait3A] : memref<80x128xi32, #tpu.memory_space<vmem>> -> memref<1x128xi32, #tpu.memory_space<vmem>>
      %dma_wait3A_133 = tpu.memref_squeeze %dma_wait3A_132 : memref<1x128xi32, #tpu.memory_space<vmem>> -> memref<128xi32, #tpu.memory_space<vmem>>
      %dma_wait3A_134 = arith.constant 0 : i32
      %dma_wait3A_135 = tpu.memref_slice %arg8[%dma_wait3A_134] : memref<10240xf32, #tpu.memory_space<vmem_shared>> -> memref<10240xf32, #tpu.memory_space<vmem_shared>>
      tpu.wait_indirect_dma semaphore(%arg7 : memref<!tpu.dma_semaphore, #tpu.memory_space<semaphore_mem>>) src(%arg6 : memref<128xf32, #tpu.memory_space<vmem>>) dst(%dma_wait3A_135 : memref<10240xf32, #tpu.memory_space<vmem_shared>>)
      %mul3A_136 = arith.constant 8 : i32
      %mul3A_137 = arith.muli %scan3A_57, %mul3A_136 : i32
      %add3A_138 = arith.constant 1 : i32
      %add3A_139 = arith.addi %mul3A_137, %add3A_138 : i32
      %dma_wait3A_140 = arith.constant 0 : i32
      %dma_wait3A_141 = tpu.memref_slice %arg5[%add3A_139, %dma_wait3A_140] : memref<80x128xi32, #tpu.memory_space<vmem>> -> memref<1x128xi32, #tpu.memory_space<vmem>>
      %dma_wait3A_142 = tpu.memref_squeeze %dma_wait3A_141 : memref<1x128xi32, #tpu.memory_space<vmem>> -> memref<128xi32, #tpu.memory_space<vmem>>
      %dma_wait3A_143 = arith.constant 0 : i32
      %dma_wait3A_144 = tpu.memref_slice %arg8[%dma_wait3A_143] : memref<10240xf32, #tpu.memory_space<vmem_shared>> -> memref<10240xf32, #tpu.memory_space<vmem_shared>>
      tpu.wait_indirect_dma semaphore(%arg7 : memref<!tpu.dma_semaphore, #tpu.memory_space<semaphore_mem>>) src(%arg6 : memref<128xf32, #tpu.memory_space<vmem>>) dst(%dma_wait3A_144 : memref<10240xf32, #tpu.memory_space<vmem_shared>>)
      %mul3A_145 = arith.constant 8 : i32
      %mul3A_146 = arith.muli %scan3A_57, %mul3A_145 : i32
      %add3A_147 = arith.constant 2 : i32
      %add3A_148 = arith.addi %mul3A_146, %add3A_147 : i32
      %dma_wait3A_149 = arith.constant 0 : i32
      %dma_wait3A_150 = tpu.memref_slice %arg5[%add3A_148, %dma_wait3A_149] : memref<80x128xi32, #tpu.memory_space<vmem>> -> memref<1x128xi32, #tpu.memory_space<vmem>>
      %dma_wait3A_151 = tpu.memref_squeeze %dma_wait3A_150 : memref<1x128xi32, #tpu.memory_space<vmem>> -> memref<128xi32, #tpu.memory_space<vmem>>
      %dma_wait3A_152 = arith.constant 0 : i32
      %dma_wait3A_153 = tpu.memref_slice %arg8[%dma_wait3A_152] : memref<10240xf32, #tpu.memory_space<vmem_shared>> -> memref<10240xf32, #tpu.memory_space<vmem_shared>>
      tpu.wait_indirect_dma semaphore(%arg7 : memref<!tpu.dma_semaphore, #tpu.memory_space<semaphore_mem>>) src(%arg6 : memref<128xf32, #tpu.memory_space<vmem>>) dst(%dma_wait3A_153 : memref<10240xf32, #tpu.memory_space<vmem_shared>>)
      %mul3A_154 = arith.constant 8 : i32
      %mul3A_155 = arith.muli %scan3A_57, %mul3A_154 : i32
      %add3A_156 = arith.constant 3 : i32
      %add3A_157 = arith.addi %mul3A_155, %add3A_156 : i32
      %dma_wait3A_158 = arith.constant 0 : i32
      %dma_wait3A_159 = tpu.memref_slice %arg5[%add3A_157, %dma_wait3A_158] : memref<80x128xi32, #tpu.memory_space<vmem>> -> memref<1x128xi32, #tpu.memory_space<vmem>>
      %dma_wait3A_160 = tpu.memref_squeeze %dma_wait3A_159 : memref<1x128xi32, #tpu.memory_space<vmem>> -> memref<128xi32, #tpu.memory_space<vmem>>
      %dma_wait3A_161 = arith.constant 0 : i32
      %dma_wait3A_162 = tpu.memref_slice %arg8[%dma_wait3A_161] : memref<10240xf32, #tpu.memory_space<vmem_shared>> -> memref<10240xf32, #tpu.memory_space<vmem_shared>>
      tpu.wait_indirect_dma semaphore(%arg7 : memref<!tpu.dma_semaphore, #tpu.memory_space<semaphore_mem>>) src(%arg6 : memref<128xf32, #tpu.memory_space<vmem>>) dst(%dma_wait3A_162 : memref<10240xf32, #tpu.memory_space<vmem_shared>>)
      %mul3A_163 = arith.constant 8 : i32
      %mul3A_164 = arith.muli %scan3A_57, %mul3A_163 : i32
      %add3A_165 = arith.constant 4 : i32
      %add3A_166 = arith.addi %mul3A_164, %add3A_165 : i32
      %dma_wait3A_167 = arith.constant 0 : i32
      %dma_wait3A_168 = tpu.memref_slice %arg5[%add3A_166, %dma_wait3A_167] : memref<80x128xi32, #tpu.memory_space<vmem>> -> memref<1x128xi32, #tpu.memory_space<vmem>>
      %dma_wait3A_169 = tpu.memref_squeeze %dma_wait3A_168 : memref<1x128xi32, #tpu.memory_space<vmem>> -> memref<128xi32, #tpu.memory_space<vmem>>
      %dma_wait3A_170 = arith.constant 0 : i32
      %dma_wait3A_171 = tpu.memref_slice %arg8[%dma_wait3A_170] : memref<10240xf32, #tpu.memory_space<vmem_shared>> -> memref<10240xf32, #tpu.memory_space<vmem_shared>>
      tpu.wait_indirect_dma semaphore(%arg7 : memref<!tpu.dma_semaphore, #tpu.memory_space<semaphore_mem>>) src(%arg6 : memref<128xf32, #tpu.memory_space<vmem>>) dst(%dma_wait3A_171 : memref<10240xf32, #tpu.memory_space<vmem_shared>>)
      %mul3A_172 = arith.constant 8 : i32
      %mul3A_173 = arith.muli %scan3A_57, %mul3A_172 : i32
      %add3A_174 = arith.constant 5 : i32
      %add3A_175 = arith.addi %mul3A_173, %add3A_174 : i32
      %dma_wait3A_176 = arith.constant 0 : i32
      %dma_wait3A_177 = tpu.memref_slice %arg5[%add3A_175, %dma_wait3A_176] : memref<80x128xi32, #tpu.memory_space<vmem>> -> memref<1x128xi32, #tpu.memory_space<vmem>>
      %dma_wait3A_178 = tpu.memref_squeeze %dma_wait3A_177 : memref<1x128xi32, #tpu.memory_space<vmem>> -> memref<128xi32, #tpu.memory_space<vmem>>
      %dma_wait3A_179 = arith.constant 0 : i32
      %dma_wait3A_180 = tpu.memref_slice %arg8[%dma_wait3A_179] : memref<10240xf32, #tpu.memory_space<vmem_shared>> -> memref<10240xf32, #tpu.memory_space<vmem_shared>>
      tpu.wait_indirect_dma semaphore(%arg7 : memref<!tpu.dma_semaphore, #tpu.memory_space<semaphore_mem>>) src(%arg6 : memref<128xf32, #tpu.memory_space<vmem>>) dst(%dma_wait3A_180 : memref<10240xf32, #tpu.memory_space<vmem_shared>>)
      %mul3A_181 = arith.constant 8 : i32
      %mul3A_182 = arith.muli %scan3A_57, %mul3A_181 : i32
      %add3A_183 = arith.constant 6 : i32
      %add3A_184 = arith.addi %mul3A_182, %add3A_183 : i32
      %dma_wait3A_185 = arith.constant 0 : i32
      %dma_wait3A_186 = tpu.memref_slice %arg5[%add3A_184, %dma_wait3A_185] : memref<80x128xi32, #tpu.memory_space<vmem>> -> memref<1x128xi32, #tpu.memory_space<vmem>>
      %dma_wait3A_187 = tpu.memref_squeeze %dma_wait3A_186 : memref<1x128xi32, #tpu.memory_space<vmem>> -> memref<128xi32, #tpu.memory_space<vmem>>
      %dma_wait3A_188 = arith.constant 0 : i32
      %dma_wait3A_189 = tpu.memref_slice %arg8[%dma_wait3A_188] : memref<10240xf32, #tpu.memory_space<vmem_shared>> -> memref<10240xf32, #tpu.memory_space<vmem_shared>>
      tpu.wait_indirect_dma semaphore(%arg7 : memref<!tpu.dma_semaphore, #tpu.memory_space<semaphore_mem>>) src(%arg6 : memref<128xf32, #tpu.memory_space<vmem>>) dst(%dma_wait3A_189 : memref<10240xf32, #tpu.memory_space<vmem_shared>>)
      %mul3A_190 = arith.constant 8 : i32
      %mul3A_191 = arith.muli %scan3A_57, %mul3A_190 : i32
      %add3A_192 = arith.constant 7 : i32
      %add3A_193 = arith.addi %mul3A_191, %add3A_192 : i32
      %dma_wait3A_194 = arith.constant 0 : i32
      %dma_wait3A_195 = tpu.memref_slice %arg5[%add3A_193, %dma_wait3A_194] : memref<80x128xi32, #tpu.memory_space<vmem>> -> memref<1x128xi32, #tpu.memory_space<vmem>>
      %dma_wait3A_196 = tpu.memref_squeeze %dma_wait3A_195 : memref<1x128xi32, #tpu.memory_space<vmem>> -> memref<128xi32, #tpu.memory_space<vmem>>
      %dma_wait3A_197 = arith.constant 0 : i32
      %dma_wait3A_198 = tpu.memref_slice %arg8[%dma_wait3A_197] : memref<10240xf32, #tpu.memory_space<vmem_shared>> -> memref<10240xf32, #tpu.memory_space<vmem_shared>>
      tpu.wait_indirect_dma semaphore(%arg7 : memref<!tpu.dma_semaphore, #tpu.memory_space<semaphore_mem>>) src(%arg6 : memref<128xf32, #tpu.memory_space<vmem>>) dst(%dma_wait3A_198 : memref<10240xf32, #tpu.memory_space<vmem_shared>>)
    }
    %scan3A_51 = arith.constant 10 : i32
    %barrier3A_52 = arith.constant 0 : index
    tpu.barrier barrier_id(%barrier3A_52)
    %mul3A_53 = arith.constant 640 : i32
    %mul3A_54 = arith.muli %arg1, %mul3A_53 : i32
    %mul3A_55 = arith.constant 640 : i32
    %mul3A_56 = arith.muli %arg1, %mul3A_55 : i32
    "tpu.region"() ({
      %run_scoped3A = tpu.sem_alloc : memref<!tpu.dma_semaphore, #tpu.memory_space<semaphore_mem>>
      %dma_start3A = tpu.memref_slice %arg4[%arg0, %mul3A_56] : memref<2x10240xf32, #tpu.memory_space<hbm>> -> memref<1x640xf32, #tpu.memory_space<hbm>>
      %dma_start3A_57 = tpu.memref_squeeze %dma_start3A : memref<1x640xf32, #tpu.memory_space<hbm>> -> memref<640xf32, #tpu.memory_space<hbm>>
      %dma_start3A_58 = tpu.memref_slice %arg8[%mul3A_54] : memref<10240xf32, #tpu.memory_space<vmem_shared>> -> memref<640xf32, #tpu.memory_space<vmem_shared>>
      tpu.enqueue_dma source(%dma_start3A_58 : memref<640xf32, #tpu.memory_space<vmem_shared>>) target(%dma_start3A_57 : memref<640xf32, #tpu.memory_space<hbm>>) target_semaphore(%run_scoped3A : memref<!tpu.dma_semaphore, #tpu.memory_space<semaphore_mem>>)
      %dma_wait3A = tpu.memref_slice %arg4[%arg0, %mul3A_56] : memref<2x10240xf32, #tpu.memory_space<hbm>> -> memref<1x640xf32, #tpu.memory_space<hbm>>
      %dma_wait3A_59 = tpu.memref_squeeze %dma_wait3A : memref<1x640xf32, #tpu.memory_space<hbm>> -> memref<640xf32, #tpu.memory_space<hbm>>
      %dma_wait3A_60 = tpu.memref_slice %arg8[%mul3A_54] : memref<10240xf32, #tpu.memory_space<vmem_shared>> -> memref<640xf32, #tpu.memory_space<vmem_shared>>
      tpu.wait_dma2 semaphore(%run_scoped3A : memref<!tpu.dma_semaphore, #tpu.memory_space<semaphore_mem>>) src(%dma_wait3A_60 : memref<640xf32, #tpu.memory_space<vmem_shared>>) dst(%dma_wait3A_59 : memref<640xf32, #tpu.memory_space<hbm>>)
      tpu.yield
    }) : () -> ()
    return
  }
}

#map = affine_map<(d0, d1) -> (0, 0)>
#map1 = affine_map<(d0, d1) -> (0, 0, 0, 0)>
#map2 = affine_map<(d0, d1) -> (0, 0, 0)>
module attributes {stable_mosaic.version = 14 : i64} {
  func.func @_scatter_body(%arg0: i32, %arg1: i32, %arg2: memref<10240x128xf32, #tpu.memory_space<hbm>>, %arg3: memref<2x16x80x128xi32, #tpu.memory_space<hbm>>, %arg4: memref<2x16x80x128xi32, #tpu.memory_space<hbm>>, %arg5: memref<640x128xf32, #tpu.memory_space<hbm>>, %arg6: memref<2x10240x128xf32, #tpu.memory_space<hbm>>, %arg7: memref<80x128xi32, #tpu.memory_space<vmem>>, %arg8: memref<80x128xi32, #tpu.memory_space<vmem>>, %arg9: memref<128x128xf32, #tpu.memory_space<vmem>>, %arg10: memref<!tpu.dma_semaphore, #tpu.memory_space<semaphore_mem>>, %arg11: memref<!tpu.dma_semaphore, #tpu.memory_space<semaphore_mem>>, %arg12: memref<!tpu.dma_semaphore, #tpu.memory_space<semaphore_mem>>, %arg13: memref<10240x128xf32, #tpu.memory_space<vmem_shared>>) attributes {dimension_semantics = [#tpu.dimension_semantics<core_parallel>, #tpu.dimension_semantics<subcore_parallel>], iteration_bounds = array<i64: 2, 16>, scalar_prefetch = 0 : i64, scratch_operands = 7 : i64, tpu.core_type = #tpu.core_type<sc_vector_subcore>, window_params = [{transform_indices = #map}, {transform_indices = #map1}, {transform_indices = #map1}, {transform_indices = #map}, {transform_indices = #map2}]} {
    %dma_start3A = arith.constant 0 : i32
    %dma_start3A_0 = arith.constant 0 : i32
    %dma_start3A_1 = tpu.memref_slice %arg3[%arg0, %arg1, %dma_start3A, %dma_start3A_0] : memref<2x16x80x128xi32, #tpu.memory_space<hbm>> -> memref<1x1x80x128xi32, #tpu.memory_space<hbm>>
    %dma_start3A_2 = tpu.memref_squeeze %dma_start3A_1 : memref<1x1x80x128xi32, #tpu.memory_space<hbm>> -> memref<80x128xi32, #tpu.memory_space<hbm>>
    %dma_start3A_3 = arith.constant 0 : i32
    %dma_start3A_4 = arith.constant 0 : i32
    %dma_start3A_5 = tpu.memref_slice %arg3[%arg0, %arg1, %dma_start3A_3, %dma_start3A_4] : memref<2x16x80x128xi32, #tpu.memory_space<hbm>> -> memref<1x1x80x128xi32, #tpu.memory_space<hbm>>
    %dma_start3A_6 = tpu.memref_squeeze %dma_start3A_5 : memref<1x1x80x128xi32, #tpu.memory_space<hbm>> -> memref<80x128xi32, #tpu.memory_space<hbm>>
    tpu.enqueue_dma source(%dma_start3A_6 : memref<80x128xi32, #tpu.memory_space<hbm>>) target(%arg7 : memref<80x128xi32, #tpu.memory_space<vmem>>) target_semaphore(%arg10 : memref<!tpu.dma_semaphore, #tpu.memory_space<semaphore_mem>>)
    %dma_start3A_7 = arith.constant 0 : i32
    %dma_start3A_8 = arith.constant 0 : i32
    %dma_start3A_9 = tpu.memref_slice %arg4[%arg0, %arg1, %dma_start3A_7, %dma_start3A_8] : memref<2x16x80x128xi32, #tpu.memory_space<hbm>> -> memref<1x1x80x128xi32, #tpu.memory_space<hbm>>
    %dma_start3A_10 = tpu.memref_squeeze %dma_start3A_9 : memref<1x1x80x128xi32, #tpu.memory_space<hbm>> -> memref<80x128xi32, #tpu.memory_space<hbm>>
    %dma_start3A_11 = arith.constant 0 : i32
    %dma_start3A_12 = arith.constant 0 : i32
    %dma_start3A_13 = tpu.memref_slice %arg4[%arg0, %arg1, %dma_start3A_11, %dma_start3A_12] : memref<2x16x80x128xi32, #tpu.memory_space<hbm>> -> memref<1x1x80x128xi32, #tpu.memory_space<hbm>>
    %dma_start3A_14 = tpu.memref_squeeze %dma_start3A_13 : memref<1x1x80x128xi32, #tpu.memory_space<hbm>> -> memref<80x128xi32, #tpu.memory_space<hbm>>
    tpu.enqueue_dma source(%dma_start3A_14 : memref<80x128xi32, #tpu.memory_space<hbm>>) target(%arg8 : memref<80x128xi32, #tpu.memory_space<vmem>>) target_semaphore(%arg11 : memref<!tpu.dma_semaphore, #tpu.memory_space<semaphore_mem>>)
    %mul3A = arith.constant 640 : i32
    %mul3A_15 = arith.muli %arg1, %mul3A : i32
    %dma_start3A_16 = arith.constant 0 : i32
    %dma_start3A_17 = tpu.memref_slice %arg13[%mul3A_15, %dma_start3A_16] : memref<10240x128xf32, #tpu.memory_space<vmem_shared>> -> memref<640x128xf32, #tpu.memory_space<vmem_shared>>
    tpu.enqueue_dma source(%arg5 : memref<640x128xf32, #tpu.memory_space<hbm>>) target(%dma_start3A_17 : memref<640x128xf32, #tpu.memory_space<vmem_shared>>) target_semaphore(%arg12 : memref<!tpu.dma_semaphore, #tpu.memory_space<semaphore_mem>>)
    %dma_wait3A = arith.constant 0 : i32
    %dma_wait3A_18 = arith.constant 0 : i32
    %dma_wait3A_19 = tpu.memref_slice %arg3[%arg0, %arg1, %dma_wait3A, %dma_wait3A_18] : memref<2x16x80x128xi32, #tpu.memory_space<hbm>> -> memref<1x1x80x128xi32, #tpu.memory_space<hbm>>
    %dma_wait3A_20 = tpu.memref_squeeze %dma_wait3A_19 : memref<1x1x80x128xi32, #tpu.memory_space<hbm>> -> memref<80x128xi32, #tpu.memory_space<hbm>>
    %dma_wait3A_21 = arith.constant 0 : i32
    %dma_wait3A_22 = arith.constant 0 : i32
    %dma_wait3A_23 = tpu.memref_slice %arg3[%arg0, %arg1, %dma_wait3A_21, %dma_wait3A_22] : memref<2x16x80x128xi32, #tpu.memory_space<hbm>> -> memref<1x1x80x128xi32, #tpu.memory_space<hbm>>
    %dma_wait3A_24 = tpu.memref_squeeze %dma_wait3A_23 : memref<1x1x80x128xi32, #tpu.memory_space<hbm>> -> memref<80x128xi32, #tpu.memory_space<hbm>>
    tpu.wait_dma2 semaphore(%arg10 : memref<!tpu.dma_semaphore, #tpu.memory_space<semaphore_mem>>) src(%dma_wait3A_24 : memref<80x128xi32, #tpu.memory_space<hbm>>) dst(%arg7 : memref<80x128xi32, #tpu.memory_space<vmem>>)
    %dma_wait3A_25 = arith.constant 0 : i32
    %dma_wait3A_26 = arith.constant 0 : i32
    %dma_wait3A_27 = tpu.memref_slice %arg4[%arg0, %arg1, %dma_wait3A_25, %dma_wait3A_26] : memref<2x16x80x128xi32, #tpu.memory_space<hbm>> -> memref<1x1x80x128xi32, #tpu.memory_space<hbm>>
    %dma_wait3A_28 = tpu.memref_squeeze %dma_wait3A_27 : memref<1x1x80x128xi32, #tpu.memory_space<hbm>> -> memref<80x128xi32, #tpu.memory_space<hbm>>
    %dma_wait3A_29 = arith.constant 0 : i32
    %dma_wait3A_30 = arith.constant 0 : i32
    %dma_wait3A_31 = tpu.memref_slice %arg4[%arg0, %arg1, %dma_wait3A_29, %dma_wait3A_30] : memref<2x16x80x128xi32, #tpu.memory_space<hbm>> -> memref<1x1x80x128xi32, #tpu.memory_space<hbm>>
    %dma_wait3A_32 = tpu.memref_squeeze %dma_wait3A_31 : memref<1x1x80x128xi32, #tpu.memory_space<hbm>> -> memref<80x128xi32, #tpu.memory_space<hbm>>
    tpu.wait_dma2 semaphore(%arg11 : memref<!tpu.dma_semaphore, #tpu.memory_space<semaphore_mem>>) src(%dma_wait3A_32 : memref<80x128xi32, #tpu.memory_space<hbm>>) dst(%arg8 : memref<80x128xi32, #tpu.memory_space<vmem>>)
    %dma_wait3A_33 = arith.constant 0 : i32
    %dma_wait3A_34 = tpu.memref_slice %arg13[%mul3A_15, %dma_wait3A_33] : memref<10240x128xf32, #tpu.memory_space<vmem_shared>> -> memref<640x128xf32, #tpu.memory_space<vmem_shared>>
    tpu.wait_dma2 semaphore(%arg12 : memref<!tpu.dma_semaphore, #tpu.memory_space<semaphore_mem>>) src(%arg5 : memref<640x128xf32, #tpu.memory_space<hbm>>) dst(%dma_wait3A_34 : memref<640x128xf32, #tpu.memory_space<vmem_shared>>)
    %barrier3A = arith.constant 0 : index
    tpu.barrier barrier_id(%barrier3A)
    %scan3A = arith.constant 0 : i32
    %scan3A_35 = arith.constant 0 : i32
    %scan3A_36 = arith.constant 80 : i32
    %scan3A_37 = arith.addi %scan3A_35, %scan3A_36 : i32
    %scan3A_38 = arith.constant 1 : i32
    scf.for %scan3A_45 = %scan3A_35 to %scan3A_37 step %scan3A_38  : i32 {
      %dma_start3A_46 = arith.constant 0 : i32
      %dma_start3A_47 = tpu.memref_slice %arg7[%scan3A_45, %dma_start3A_46] : memref<80x128xi32, #tpu.memory_space<vmem>> -> memref<1x128xi32, #tpu.memory_space<vmem>>
      %dma_start3A_48 = tpu.memref_squeeze %dma_start3A_47 : memref<1x128xi32, #tpu.memory_space<vmem>> -> memref<128xi32, #tpu.memory_space<vmem>>
      %dma_start3A_49 = arith.constant 0 : i32
      %dma_start3A_50 = arith.constant 0 : i32
      %dma_start3A_51 = tpu.memref_slice %arg2[%dma_start3A_49, %dma_start3A_50] : memref<10240x128xf32, #tpu.memory_space<hbm>> -> memref<10240x128xf32, #tpu.memory_space<hbm>>
      tpu.enqueue_indirect_dma source(%dma_start3A_51 : memref<10240x128xf32, #tpu.memory_space<hbm>>) target(%arg9 : memref<128x128xf32, #tpu.memory_space<vmem>>) offsets(%dma_start3A_48 : memref<128xi32, #tpu.memory_space<vmem>>) semaphore(%arg10 : memref<!tpu.dma_semaphore, #tpu.memory_space<semaphore_mem>>)
      %dma_wait3A_52 = arith.constant 0 : i32
      %dma_wait3A_53 = tpu.memref_slice %arg7[%scan3A_45, %dma_wait3A_52] : memref<80x128xi32, #tpu.memory_space<vmem>> -> memref<1x128xi32, #tpu.memory_space<vmem>>
      %dma_wait3A_54 = tpu.memref_squeeze %dma_wait3A_53 : memref<1x128xi32, #tpu.memory_space<vmem>> -> memref<128xi32, #tpu.memory_space<vmem>>
      %dma_wait3A_55 = arith.constant 0 : i32
      %dma_wait3A_56 = arith.constant 0 : i32
      %dma_wait3A_57 = tpu.memref_slice %arg2[%dma_wait3A_55, %dma_wait3A_56] : memref<10240x128xf32, #tpu.memory_space<hbm>> -> memref<10240x128xf32, #tpu.memory_space<hbm>>
      tpu.wait_indirect_dma semaphore(%arg10 : memref<!tpu.dma_semaphore, #tpu.memory_space<semaphore_mem>>) src(%dma_wait3A_57 : memref<10240x128xf32, #tpu.memory_space<hbm>>) dst(%arg9 : memref<128x128xf32, #tpu.memory_space<vmem>>)
      %dma_start3A_58 = arith.constant 0 : i32
      %dma_start3A_59 = tpu.memref_slice %arg8[%scan3A_45, %dma_start3A_58] : memref<80x128xi32, #tpu.memory_space<vmem>> -> memref<1x128xi32, #tpu.memory_space<vmem>>
      %dma_start3A_60 = tpu.memref_squeeze %dma_start3A_59 : memref<1x128xi32, #tpu.memory_space<vmem>> -> memref<128xi32, #tpu.memory_space<vmem>>
      %dma_start3A_61 = arith.constant 0 : i32
      %dma_start3A_62 = arith.constant 0 : i32
      %dma_start3A_63 = tpu.memref_slice %arg13[%dma_start3A_61, %dma_start3A_62] : memref<10240x128xf32, #tpu.memory_space<vmem_shared>> -> memref<10240x128xf32, #tpu.memory_space<vmem_shared>>
      tpu.enqueue_indirect_dma source(%arg9 : memref<128x128xf32, #tpu.memory_space<vmem>>) target(%dma_start3A_63 : memref<10240x128xf32, #tpu.memory_space<vmem_shared>>) offsets(%dma_start3A_60 : memref<128xi32, #tpu.memory_space<vmem>>) semaphore(%arg11 : memref<!tpu.dma_semaphore, #tpu.memory_space<semaphore_mem>>) {add = true}
      %dma_wait3A_64 = arith.constant 0 : i32
      %dma_wait3A_65 = tpu.memref_slice %arg8[%scan3A_45, %dma_wait3A_64] : memref<80x128xi32, #tpu.memory_space<vmem>> -> memref<1x128xi32, #tpu.memory_space<vmem>>
      %dma_wait3A_66 = tpu.memref_squeeze %dma_wait3A_65 : memref<1x128xi32, #tpu.memory_space<vmem>> -> memref<128xi32, #tpu.memory_space<vmem>>
      %dma_wait3A_67 = arith.constant 0 : i32
      %dma_wait3A_68 = arith.constant 0 : i32
      %dma_wait3A_69 = tpu.memref_slice %arg13[%dma_wait3A_67, %dma_wait3A_68] : memref<10240x128xf32, #tpu.memory_space<vmem_shared>> -> memref<10240x128xf32, #tpu.memory_space<vmem_shared>>
      tpu.wait_indirect_dma semaphore(%arg11 : memref<!tpu.dma_semaphore, #tpu.memory_space<semaphore_mem>>) src(%arg9 : memref<128x128xf32, #tpu.memory_space<vmem>>) dst(%dma_wait3A_69 : memref<10240x128xf32, #tpu.memory_space<vmem_shared>>)
    }
    %scan3A_39 = arith.constant 80 : i32
    %barrier3A_40 = arith.constant 0 : index
    tpu.barrier barrier_id(%barrier3A_40)
    %mul3A_41 = arith.constant 640 : i32
    %mul3A_42 = arith.muli %arg1, %mul3A_41 : i32
    %mul3A_43 = arith.constant 640 : i32
    %mul3A_44 = arith.muli %arg1, %mul3A_43 : i32
    "tpu.region"() ({
      %run_scoped3A = tpu.sem_alloc : memref<!tpu.dma_semaphore, #tpu.memory_space<semaphore_mem>>
      %dma_start3A_45 = arith.constant 0 : i32
      %dma_start3A_46 = tpu.memref_slice %arg6[%arg0, %mul3A_44, %dma_start3A_45] : memref<2x10240x128xf32, #tpu.memory_space<hbm>> -> memref<1x640x128xf32, #tpu.memory_space<hbm>>
      %dma_start3A_47 = tpu.memref_squeeze %dma_start3A_46 : memref<1x640x128xf32, #tpu.memory_space<hbm>> -> memref<640x128xf32, #tpu.memory_space<hbm>>
      %dma_start3A_48 = arith.constant 0 : i32
      %dma_start3A_49 = tpu.memref_slice %arg13[%mul3A_42, %dma_start3A_48] : memref<10240x128xf32, #tpu.memory_space<vmem_shared>> -> memref<640x128xf32, #tpu.memory_space<vmem_shared>>
      tpu.enqueue_dma source(%dma_start3A_49 : memref<640x128xf32, #tpu.memory_space<vmem_shared>>) target(%dma_start3A_47 : memref<640x128xf32, #tpu.memory_space<hbm>>) target_semaphore(%run_scoped3A : memref<!tpu.dma_semaphore, #tpu.memory_space<semaphore_mem>>)
      %dma_wait3A_50 = arith.constant 0 : i32
      %dma_wait3A_51 = tpu.memref_slice %arg6[%arg0, %mul3A_44, %dma_wait3A_50] : memref<2x10240x128xf32, #tpu.memory_space<hbm>> -> memref<1x640x128xf32, #tpu.memory_space<hbm>>
      %dma_wait3A_52 = tpu.memref_squeeze %dma_wait3A_51 : memref<1x640x128xf32, #tpu.memory_space<hbm>> -> memref<640x128xf32, #tpu.memory_space<hbm>>
      %dma_wait3A_53 = arith.constant 0 : i32
      %dma_wait3A_54 = tpu.memref_slice %arg13[%mul3A_42, %dma_wait3A_53] : memref<10240x128xf32, #tpu.memory_space<vmem_shared>> -> memref<640x128xf32, #tpu.memory_space<vmem_shared>>
      tpu.wait_dma2 semaphore(%run_scoped3A : memref<!tpu.dma_semaphore, #tpu.memory_space<semaphore_mem>>) src(%dma_wait3A_54 : memref<640x128xf32, #tpu.memory_space<vmem_shared>>) dst(%dma_wait3A_52 : memref<640x128xf32, #tpu.memory_space<hbm>>)
      tpu.yield
    }) : () -> ()
    return
  }
}

module attributes {stable_mosaic.version = 14 : i64} {
  func.func @_mm1_body(%arg0: i32, %arg1: memref<2x512xf32, #tpu.memory_space<vmem>>, %arg2: memref<512x128xf32, #tpu.memory_space<vmem>>, %arg3: memref<128x128xf32, #tpu.memory_space<vmem>>, %arg4: memref<512x128xf32, #tpu.memory_space<vmem>>) attributes {dimension_semantics = [#tpu.dimension_semantics<arbitrary>], iteration_bounds = array<i64: 20>, scalar_prefetch = 0 : i64, scratch_operands = 0 : i64, tpu.core_type = #tpu.core_type<tc>, window_params = [{transform_indices = @transform_0, window_bounds = array<i64: 2, 512>}, {transform_indices = @transform_1, window_bounds = array<i64: 512, 128>}, {pipeline_mode = #tpu.pipeline_mode<synchronous>, transform_indices = @transform_2, window_bounds = array<i64: 128, 128>}, {transform_indices = @transform_3, window_bounds = array<i64: 512, 128>}]} {
    %get3A = arith.constant 0 : index
    %get3A_0 = arith.constant 0 : index
    %get3A_1 = vector.load %arg2[%get3A, %get3A_0] : memref<512x128xf32, #tpu.memory_space<vmem>>, vector<512x128xf32>
    %get3A_2 = arith.constant 0 : index
    %get3A_3 = arith.constant 0 : index
    %get3A_4 = vector.load %arg3[%get3A_2, %get3A_3] : memref<128x128xf32, #tpu.memory_space<vmem>>, vector<128x128xf32>
    %dot_general3A = arith.constant dense<0.000000e+00> : vector<512x128xf32>
    %dot_general3A_5 = tpu.matmul %get3A_1, %get3A_4, %dot_general3A {dimension_numbers = #tpu.dot_dimension_numbers<[1], [0], [0], [1], [0, 0, 1, 1], [], []>, transpose_lhs_hint = false} : vector<512x128xf32>, vector<128x128xf32>, vector<512x128xf32> -> vector<512x128xf32>
    %get3A_6 = arith.constant 0 : index
    %get3A_7 = arith.constant 0 : index
    %get3A_8 = vector.load %arg1[%get3A_6, %get3A_7] : memref<2x512xf32, #tpu.memory_space<vmem>>, vector<1x512xf32>
    %get3A_9 = vector.shape_cast %get3A_8 : vector<1x512xf32> to vector<512xf32>
    %get3A_10 = arith.constant 1 : index
    %get3A_11 = arith.constant 0 : index
    %get3A_12 = vector.load %arg1[%get3A_10, %get3A_11] : memref<2x512xf32, #tpu.memory_space<vmem>>, vector<1x512xf32>
    %get3A_13 = vector.shape_cast %get3A_12 : vector<1x512xf32> to vector<512xf32>
    %add3A = arith.addf %get3A_9, %get3A_13 : vector<512xf32>
    %add3A_14 = arith.constant 1.000000e+00 : f32
    %add3A_15 = vector.broadcast %add3A_14 : f32 to vector<512xf32>
    %add3A_16 = arith.addf %add3A, %add3A_15 : vector<512xf32>
    %rsqrt3A = math.rsqrt %add3A_16 : vector<512xf32>
    %broadcast_in_dim3A = vector.shape_cast %rsqrt3A : vector<512xf32> to vector<512x1xf32>
    %mul3A = vector.broadcast %broadcast_in_dim3A : vector<512x1xf32> to vector<512x128xf32>
    %mul3A_17 = arith.mulf %dot_general3A_5, %mul3A : vector<512x128xf32>
    %swap3A = arith.constant 0 : index
    %swap3A_18 = arith.constant 0 : index
    %swap3A_19 = vector.load %arg4[%swap3A, %swap3A_18] : memref<512x128xf32, #tpu.memory_space<vmem>>, vector<512x128xf32>
    tpu.vector_store %arg4[%swap3A, %swap3A_18], %mul3A_17 {strides = array<i32>} : memref<512x128xf32, #tpu.memory_space<vmem>>, vector<512x128xf32>,
    return
  }
  func.func @transform_0(%arg0: i32) -> (i32, i32) {
    %c0_i32 = arith.constant 0 : i32
    %c0_i32_0 = arith.constant 0 : i32
    return %c0_i32, %arg0 : i32, i32
  }
  func.func @transform_1(%arg0: i32) -> (i32, i32) {
    %c0_i32 = arith.constant 0 : i32
    %c0_i32_0 = arith.constant 0 : i32
    return %arg0, %c0_i32 : i32, i32
  }
  func.func @transform_2(%arg0: i32) -> (i32, i32) {
    %c0_i32 = arith.constant 0 : i32
    %c0_i32_0 = arith.constant 0 : i32
    %c0_i32_1 = arith.constant 0 : i32
    return %c0_i32, %c0_i32_0 : i32, i32
  }
  func.func @transform_3(%arg0: i32) -> (i32, i32) {
    %c0_i32 = arith.constant 0 : i32
    %c0_i32_0 = arith.constant 0 : i32
    return %arg0, %c0_i32 : i32, i32
  }
}

module attributes {stable_mosaic.version = 14 : i64} {
  func.func @_mid_body(%arg0: i32, %arg1: memref<2x512xf32, #tpu.memory_space<vmem>>, %arg2: memref<2x512x128xf32, #tpu.memory_space<vmem>>, %arg3: memref<512x128xf32, #tpu.memory_space<vmem>>, %arg4: memref<1x128xf32, #tpu.memory_space<vmem>>, %arg5: memref<1x128xf32, #tpu.memory_space<vmem>>, %arg6: memref<1x128xf32, #tpu.memory_space<vmem>>, %arg7: memref<128x128xf32, #tpu.memory_space<vmem>>, %arg8: memref<512x128xf32, #tpu.memory_space<vmem>>) attributes {dimension_semantics = [#tpu.dimension_semantics<arbitrary>], iteration_bounds = array<i64: 20>, scalar_prefetch = 0 : i64, scratch_operands = 0 : i64, tpu.core_type = #tpu.core_type<tc>, window_params = [{transform_indices = @transform_0, window_bounds = array<i64: 2, 512>}, {transform_indices = @transform_1, window_bounds = array<i64: 2, 512, 128>}, {transform_indices = @transform_2, window_bounds = array<i64: 512, 128>}, {pipeline_mode = #tpu.pipeline_mode<synchronous>, transform_indices = @transform_3, window_bounds = array<i64: 1, 128>}, {pipeline_mode = #tpu.pipeline_mode<synchronous>, transform_indices = @transform_4, window_bounds = array<i64: 1, 128>}, {pipeline_mode = #tpu.pipeline_mode<synchronous>, transform_indices = @transform_5, window_bounds = array<i64: 1, 128>}, {pipeline_mode = #tpu.pipeline_mode<synchronous>, transform_indices = @transform_6, window_bounds = array<i64: 128, 128>}, {transform_indices = @transform_7, window_bounds = array<i64: 512, 128>}]} {
    %get3A = arith.constant 0 : index
    %get3A_0 = arith.constant 0 : index
    %get3A_1 = vector.load %arg1[%get3A, %get3A_0] : memref<2x512xf32, #tpu.memory_space<vmem>>, vector<1x512xf32>
    %get3A_2 = vector.shape_cast %get3A_1 : vector<1x512xf32> to vector<512xf32>
    %get3A_3 = arith.constant 1 : index
    %get3A_4 = arith.constant 0 : index
    %get3A_5 = vector.load %arg1[%get3A_3, %get3A_4] : memref<2x512xf32, #tpu.memory_space<vmem>>, vector<1x512xf32>
    %get3A_6 = vector.shape_cast %get3A_5 : vector<1x512xf32> to vector<512xf32>
    %add3A = arith.addf %get3A_2, %get3A_6 : vector<512xf32>
    %add3A_7 = arith.constant 1.000000e+00 : f32
    %add3A_8 = vector.broadcast %add3A_7 : f32 to vector<512xf32>
    %add3A_9 = arith.addf %add3A, %add3A_8 : vector<512xf32>
    %rsqrt3A = math.rsqrt %add3A_9 : vector<512xf32>
    %broadcast_in_dim3A = vector.shape_cast %rsqrt3A : vector<512xf32> to vector<512x1xf32>
    %get3A_10 = arith.constant 0 : index
    %get3A_11 = arith.constant 0 : index
    %get3A_12 = arith.constant 0 : index
    %get3A_13 = vector.load %arg2[%get3A_10, %get3A_11, %get3A_12] : memref<2x512x128xf32, #tpu.memory_space<vmem>>, vector<1x512x128xf32>
    %get3A_14 = vector.shape_cast %get3A_13 : vector<1x512x128xf32> to vector<512x128xf32>
    %get3A_15 = arith.constant 1 : index
    %get3A_16 = arith.constant 0 : index
    %get3A_17 = arith.constant 0 : index
    %get3A_18 = vector.load %arg2[%get3A_15, %get3A_16, %get3A_17] : memref<2x512x128xf32, #tpu.memory_space<vmem>>, vector<1x512x128xf32>
    %get3A_19 = vector.shape_cast %get3A_18 : vector<1x512x128xf32> to vector<512x128xf32>
    %add3A_20 = arith.addf %get3A_14, %get3A_19 : vector<512x128xf32>
    %get3A_21 = arith.constant 0 : index
    %get3A_22 = arith.constant 0 : index
    %get3A_23 = vector.load %arg3[%get3A_21, %get3A_22] : memref<512x128xf32, #tpu.memory_space<vmem>>, vector<512x128xf32>
    %add3A_24 = arith.addf %add3A_20, %get3A_23 : vector<512x128xf32>
    %mul3A = vector.broadcast %broadcast_in_dim3A : vector<512x1xf32> to vector<512x128xf32>
    %mul3A_25 = arith.mulf %mul3A, %add3A_24 : vector<512x128xf32>
    %get3A_26 = arith.constant 0 : index
    %get3A_27 = arith.constant 0 : index
    %get3A_28 = vector.load %arg4[%get3A_26, %get3A_27] : memref<1x128xf32, #tpu.memory_space<vmem>>, vector<1x128xf32>
    %add3A_29 = vector.broadcast %get3A_28 : vector<1x128xf32> to vector<512x128xf32>
    %add3A_30 = arith.addf %mul3A_25, %add3A_29 : vector<512x128xf32>
    %get3A_31 = arith.constant 0 : index
    %get3A_32 = arith.constant 0 : index
    %get3A_33 = vector.load %arg5[%get3A_31, %get3A_32] : memref<1x128xf32, #tpu.memory_space<vmem>>, vector<1x128xf32>
    %mul3A_34 = arith.constant 0.999994993 : f32
    %mul3A_35 = vector.broadcast %mul3A_34 : f32 to vector<512x128xf32>
    %mul3A_36 = arith.mulf %add3A_30, %mul3A_35 : vector<512x128xf32>
    %mul3A_37 = vector.broadcast %get3A_33 : vector<1x128xf32> to vector<512x128xf32>
    %mul3A_38 = arith.mulf %mul3A_37, %mul3A_36 : vector<512x128xf32>
    %get3A_39 = arith.constant 0 : index
    %get3A_40 = arith.constant 0 : index
    %get3A_41 = vector.load %arg6[%get3A_39, %get3A_40] : memref<1x128xf32, #tpu.memory_space<vmem>>, vector<1x128xf32>
    %add3A_42 = vector.broadcast %get3A_41 : vector<1x128xf32> to vector<512x128xf32>
    %add3A_43 = arith.addf %mul3A_38, %add3A_42 : vector<512x128xf32>
    %max3A = arith.constant 0.000000e+00 : f32
    %max3A_44 = vector.broadcast %max3A : f32 to vector<512x128xf32>
    %max3A_45 = arith.maximumf %add3A_43, %max3A_44 : vector<512x128xf32>
    %get3A_46 = arith.constant 0 : index
    %get3A_47 = arith.constant 0 : index
    %get3A_48 = vector.load %arg7[%get3A_46, %get3A_47] : memref<128x128xf32, #tpu.memory_space<vmem>>, vector<128x128xf32>
    %dot_general3A = arith.constant dense<0.000000e+00> : vector<512x128xf32>
    %dot_general3A_49 = tpu.matmul %max3A_45, %get3A_48, %dot_general3A {dimension_numbers = #tpu.dot_dimension_numbers<[1], [0], [0], [1], [0, 0, 1, 1], [], []>, transpose_lhs_hint = false} : vector<512x128xf32>, vector<128x128xf32>, vector<512x128xf32> -> vector<512x128xf32>
    %mul3A_50 = vector.broadcast %broadcast_in_dim3A : vector<512x1xf32> to vector<512x128xf32>
    %mul3A_51 = arith.mulf %dot_general3A_49, %mul3A_50 : vector<512x128xf32>
    %swap3A = arith.constant 0 : index
    %swap3A_52 = arith.constant 0 : index
    %swap3A_53 = vector.load %arg8[%swap3A, %swap3A_52] : memref<512x128xf32, #tpu.memory_space<vmem>>, vector<512x128xf32>
    tpu.vector_store %arg8[%swap3A, %swap3A_52], %mul3A_51 {strides = array<i32>} : memref<512x128xf32, #tpu.memory_space<vmem>>, vector<512x128xf32>,
    return
  }
  func.func @transform_0(%arg0: i32) -> (i32, i32) {
    %c0_i32 = arith.constant 0 : i32
    %c0_i32_0 = arith.constant 0 : i32
    return %c0_i32, %arg0 : i32, i32
  }
  func.func @transform_1(%arg0: i32) -> (i32, i32, i32) {
    %c0_i32 = arith.constant 0 : i32
    %c0_i32_0 = arith.constant 0 : i32
    %c0_i32_1 = arith.constant 0 : i32
    return %c0_i32, %arg0, %c0_i32_0 : i32, i32, i32
  }
  func.func @transform_2(%arg0: i32) -> (i32, i32) {
    %c0_i32 = arith.constant 0 : i32
    %c0_i32_0 = arith.constant 0 : i32
    return %arg0, %c0_i32 : i32, i32
  }
  func.func @transform_3(%arg0: i32) -> (i32, i32) {
    %c0_i32 = arith.constant 0 : i32
    %c0_i32_0 = arith.constant 0 : i32
    %c0_i32_1 = arith.constant 0 : i32
    return %c0_i32, %c0_i32_0 : i32, i32
  }
  func.func @transform_4(%arg0: i32) -> (i32, i32) {
    %c0_i32 = arith.constant 0 : i32
    %c0_i32_0 = arith.constant 0 : i32
    %c0_i32_1 = arith.constant 0 : i32
    return %c0_i32, %c0_i32_0 : i32, i32
  }
  func.func @transform_5(%arg0: i32) -> (i32, i32) {
    %c0_i32 = arith.constant 0 : i32
    %c0_i32_0 = arith.constant 0 : i32
    %c0_i32_1 = arith.constant 0 : i32
    return %c0_i32, %c0_i32_0 : i32, i32
  }
  func.func @transform_6(%arg0: i32) -> (i32, i32) {
    %c0_i32 = arith.constant 0 : i32
    %c0_i32_0 = arith.constant 0 : i32
    %c0_i32_1 = arith.constant 0 : i32
    return %c0_i32, %c0_i32_0 : i32, i32
  }
  func.func @transform_7(%arg0: i32) -> (i32, i32) {
    %c0_i32 = arith.constant 0 : i32
    %c0_i32_0 = arith.constant 0 : i32
    return %arg0, %c0_i32 : i32, i32
  }
}

module attributes {stable_mosaic.version = 14 : i64} {
  func.func @_final_body(%arg0: i32, %arg1: memref<2x512xf32, #tpu.memory_space<vmem>>, %arg2: memref<2x512x128xf32, #tpu.memory_space<vmem>>, %arg3: memref<512x128xf32, #tpu.memory_space<vmem>>, %arg4: memref<1x128xf32, #tpu.memory_space<vmem>>, %arg5: memref<512x128xf32, #tpu.memory_space<vmem>>) attributes {dimension_semantics = [#tpu.dimension_semantics<arbitrary>], iteration_bounds = array<i64: 20>, scalar_prefetch = 0 : i64, scratch_operands = 0 : i64, tpu.core_type = #tpu.core_type<tc>, window_params = [{transform_indices = @transform_0, window_bounds = array<i64: 2, 512>}, {transform_indices = @transform_1, window_bounds = array<i64: 2, 512, 128>}, {transform_indices = @transform_2, window_bounds = array<i64: 512, 128>}, {pipeline_mode = #tpu.pipeline_mode<synchronous>, transform_indices = @transform_3, window_bounds = array<i64: 1, 128>}, {transform_indices = @transform_4, window_bounds = array<i64: 512, 128>}]} {
    %get3A = arith.constant 0 : index
    %get3A_0 = arith.constant 0 : index
    %get3A_1 = vector.load %arg1[%get3A, %get3A_0] : memref<2x512xf32, #tpu.memory_space<vmem>>, vector<1x512xf32>
    %get3A_2 = vector.shape_cast %get3A_1 : vector<1x512xf32> to vector<512xf32>
    %get3A_3 = arith.constant 1 : index
    %get3A_4 = arith.constant 0 : index
    %get3A_5 = vector.load %arg1[%get3A_3, %get3A_4] : memref<2x512xf32, #tpu.memory_space<vmem>>, vector<1x512xf32>
    %get3A_6 = vector.shape_cast %get3A_5 : vector<1x512xf32> to vector<512xf32>
    %add3A = arith.addf %get3A_2, %get3A_6 : vector<512xf32>
    %add3A_7 = arith.constant 1.000000e+00 : f32
    %add3A_8 = vector.broadcast %add3A_7 : f32 to vector<512xf32>
    %add3A_9 = arith.addf %add3A, %add3A_8 : vector<512xf32>
    %rsqrt3A = math.rsqrt %add3A_9 : vector<512xf32>
    %broadcast_in_dim3A = vector.shape_cast %rsqrt3A : vector<512xf32> to vector<512x1xf32>
    %get3A_10 = arith.constant 0 : index
    %get3A_11 = arith.constant 0 : index
    %get3A_12 = arith.constant 0 : index
    %get3A_13 = vector.load %arg2[%get3A_10, %get3A_11, %get3A_12] : memref<2x512x128xf32, #tpu.memory_space<vmem>>, vector<1x512x128xf32>
    %get3A_14 = vector.shape_cast %get3A_13 : vector<1x512x128xf32> to vector<512x128xf32>
    %get3A_15 = arith.constant 1 : index
    %get3A_16 = arith.constant 0 : index
    %get3A_17 = arith.constant 0 : index
    %get3A_18 = vector.load %arg2[%get3A_15, %get3A_16, %get3A_17] : memref<2x512x128xf32, #tpu.memory_space<vmem>>, vector<1x512x128xf32>
    %get3A_19 = vector.shape_cast %get3A_18 : vector<1x512x128xf32> to vector<512x128xf32>
    %add3A_20 = arith.addf %get3A_14, %get3A_19 : vector<512x128xf32>
    %get3A_21 = arith.constant 0 : index
    %get3A_22 = arith.constant 0 : index
    %get3A_23 = vector.load %arg3[%get3A_21, %get3A_22] : memref<512x128xf32, #tpu.memory_space<vmem>>, vector<512x128xf32>
    %add3A_24 = arith.addf %add3A_20, %get3A_23 : vector<512x128xf32>
    %mul3A = vector.broadcast %broadcast_in_dim3A : vector<512x1xf32> to vector<512x128xf32>
    %mul3A_25 = arith.mulf %mul3A, %add3A_24 : vector<512x128xf32>
    %get3A_26 = arith.constant 0 : index
    %get3A_27 = arith.constant 0 : index
    %get3A_28 = vector.load %arg4[%get3A_26, %get3A_27] : memref<1x128xf32, #tpu.memory_space<vmem>>, vector<1x128xf32>
    %add3A_29 = vector.broadcast %get3A_28 : vector<1x128xf32> to vector<512x128xf32>
    %add3A_30 = arith.addf %mul3A_25, %add3A_29 : vector<512x128xf32>
    %swap3A = arith.constant 0 : index
    %swap3A_31 = arith.constant 0 : index
    %swap3A_32 = vector.load %arg5[%swap3A, %swap3A_31] : memref<512x128xf32, #tpu.memory_space<vmem>>, vector<512x128xf32>
    tpu.vector_store %arg5[%swap3A, %swap3A_31], %add3A_30 {strides = array<i32>} : memref<512x128xf32, #tpu.memory_space<vmem>>, vector<512x128xf32>,
    return
  }
  func.func @transform_0(%arg0: i32) -> (i32, i32) {
    %c0_i32 = arith.constant 0 : i32
    %c0_i32_0 = arith.constant 0 : i32
    return %c0_i32, %arg0 : i32, i32
  }
  func.func @transform_1(%arg0: i32) -> (i32, i32, i32) {
    %c0_i32 = arith.constant 0 : i32
    %c0_i32_0 = arith.constant 0 : i32
    %c0_i32_1 = arith.constant 0 : i32
    return %c0_i32, %arg0, %c0_i32_0 : i32, i32, i32
  }
  func.func @transform_2(%arg0: i32) -> (i32, i32) {
    %c0_i32 = arith.constant 0 : i32
    %c0_i32_0 = arith.constant 0 : i32
    return %arg0, %c0_i32 : i32, i32
  }
  func.func @transform_3(%arg0: i32) -> (i32, i32) {
    %c0_i32 = arith.constant 0 : i32
    %c0_i32_0 = arith.constant 0 : i32
    %c0_i32_1 = arith.constant 0 : i32
    return %c0_i32, %c0_i32_0 : i32, i32
  }
  func.func @transform_4(%arg0: i32) -> (i32, i32) {
    %c0_i32 = arith.constant 0 : i32
    %c0_i32_0 = arith.constant 0 : i32
    return %arg0, %c0_i32 : i32, i32
  }
}

</mosaic_0001>

<sc_bundles>
// kernel: kernel.10.cloned.1.call-start
scs
__scs_entry_jumppad:
0x0: {  	(pc) =	sbr.rel $0x88, $3  }
0x1: {  	(tag) =	ssettag $0x0;
	lr =	simm.s32 $0x1  }
0x2: {  	[smem:$0x3F95] =	sst lr;
	_ =	strace $0xD0000000  }
0x3: {  	_ = 	snop  }
0x4: {  	_ = 	snop  }
0x5: {  	_ = 	snop  }
0x6: {  	_ = 	snop  }
0x7: {  	_ = 	snop  }
__scs_overlays_trampoline_lowered:
0x8: {  	[smem:$0x3FA4] =	sst s0  }
0x9: {  	[smem:$0x3FA5] =	sst s1  }
0xa: {  	[smem:$0x3FA6] =	sst s2  }
0xb: {  	[smem:$0x3FA7] =	sst s3  }
0xc: {  	[smem:$0x3FA8] =	sst s4  }
0xd: {  	[smem:$0x3FA9] =	sst s5  }
0xe: {  	[smem:$0x3FAA] =	sst s6  }
0xf: {  	[smem:$0x3FAB] =	sst s7  }
0x10: {  	[smem:$0x3FAC] =	sst s8  }
0x11: {  	[smem:$0x3FAD] =	sst s9;
	s0 =	simm.s32 @!p0 $0x0  }
0x12: {  	s1 =	sld [smem:$0x3F93];
	s0 =	simm.s32 @p0 $0x1  }
0x13: {  	[smem:$0x3FAE] =	sst s0;
	s0 =	simm.s32 @!p1 $0x0  }
0x14: {  	s2 =	sld [smem:$0x3F92];
	s0 =	simm.s32 @p1 $0x1  }
0x15: {  	[smem:$0x3FAF] =	sst s0;
	s0 =	simm.s32 @!p2 $0x0  }
0x16: {  	s3 =	sld [smem:$0x3FDB];
	s0 =	simm.s32 @p2 $0x1  }
0x17: {  	s4 =	simm.s32 $0x1BF5;
	[smem:$0x3FB1] =	sst s0  }
0x18: {  	s0 =	sld [smem:$0x3F94];
	_ =	swait.ge [sflag:s4], $0x0  }
0x19: {  	s7 =	sld [smem:$0x3F95]  }
0x1a: {  	s8 =	sadd.s32 $0xFFFFE003, lr  }
0x1b: {  	s9 =	sadd.s32 $0xFFFFFEF7, lr;
	s5 =	simm.s32 $0xFFFFFFFF;
	p2 =	slt.u32 s8, $0xFFFFF086  }
0x1c: {  	p1 =	slt.u32 s9, $0xF7A;
	s5 =	simm.s32 @!p2 $0x0  }
0x1d: {  	s5 =	simm.s32 @p1 $0x1;
	p0 =	seq.s32 s7, s2  }
0x1e: {  	s7 =	smul.u32 @!p0 $0xF7A, s2;
	p2 =	seq.s32 @!p0 s5, $0x0  }
0x1f: {  	s9 =	smul.u32 $0xF7A, s1;
	s8 =	simm.s32 @!p0 $0x1BF5;
	p2 =	por !p2, p0  }
0x20: {  	[sflag:s8] =	ssyncset.s32 @!p0 $0xFFFFF086;
	s6 =	sadd.s32 @!p0 s3, s7;
	s7 =	simm.s32 @!p0 $0x108  }
0x21: {  	s3 =	sadd.s32 s3, s9;
	s6 =	sadd.s32 @!p0 $0x88, s6;
	s7 =	simm.s32 @p2 $0x1082  }
0x22: {  	[simem:s7], [sflag:s8] =	dma.local @!p0 [hbm:s6], $0xF7A  }
0x23: {  	s9 =	sor.u32 $0xD0000000, s2;
	s6 =	simm.s32 $0x108;
	_ =	swait.ge @!p0 [sflag:s8], $0x0  }
0x24: {  	s3 =	sadd.s32 $0x88, s3;
	s6 =	simm.s32 @!p1 $0x1082;
	[sflag:s4] =	ssyncset.s32 $0xFFFFF086  }
0x25: {  	[simem:s6], [sflag:s4] =	dma.local [hbm:s3], $0xF7A  }
0x26: {  	[smem:$0x3F95] =	sst s1;
	(tag) =	ssettag s2;
	_ =	strace s9  }
0x27: {  	s1 =	sld [smem:$0x3FA5]  }
0x28: {  	s2 =	sld [smem:$0x3FA6]  }
0x29: {  	s4 =	sld [smem:$0x3FA8]  }
0x2a: {  	p0 =	seq.s32 s5, $0x0;
	s5 =	sld [smem:$0x3FA9]  }
0x2b: {  	s6 =	sld [smem:$0x3FAA]  }
0x2c: {  	s7 =	sld [smem:$0x3FAB]  }
0x2d: {  	s3 =	simm.s32 $0x108;
	s8 =	sld [smem:$0x3FAC]  }
0x2e: {  	s3 =	simm.s32 @!p0 $0x1082;
	s9 =	sld [smem:$0x3FAD]  }
0x2f: {  	lr =	sadd.s32 s0, s3;
	s0 =	sld [smem:$0x3FA4]  }
0x30: {  	s3 =	sld [smem:$0x3FA7]  }
0x31: {  	[smem:$0x3FB0] =	sst s10  }
0x32: {  	s10 =	sld [smem:$0x3FAE];
	_ =	sdelay $0x3  }
0x33: {  	p0 =	seq.s32 s10, $0x1;
	s10 =	sld [smem:$0x3FB0];
	_ =	sdelay $0x3  }
0x34: {  	[smem:$0x3FB0] =	sst s10  }
0x35: {  	s10 =	sld [smem:$0x3FAF];
	_ =	sdelay $0x3  }
0x36: {  	p1 =	seq.s32 s10, $0x1;
	s10 =	sld [smem:$0x3FB0];
	_ =	sdelay $0x3  }
0x37: {  	[smem:$0x3FB0] =	sst s10  }
0x38: {  	s10 =	sld [smem:$0x3FB1]  }
0x39: {  	_ = 	snop;
	(pc) =	sbr.ind lr, $3  }
0x3a: {  	_ = 	snop  }
0x3b: {  	_ = 	snop  }
0x3c: {  	p2 =	seq.s32 s10, $0x1;
	s10 =	sld [smem:$0x3FB0]  }
0x3d: {  	_ =	shalt  }
0x3e: {  	_ =	shalt  }
0x3f: {  	_ =	shalt  }
0x40: {  	_ =	shalt  }
0x41: {  	_ =	shalt  }
0x42: {  	_ =	shalt  }
0x43: {  	_ =	shalt  }
0x44: {  	_ =	shalt  }
0x45: {  	_ =	shalt  }
0x46: {  	_ =	shalt  }
0x47: {  	_ =	shalt  }
0x48: {  	_ =	shalt  }
0x49: {  	_ =	shalt  }
0x4a: {  	_ =	shalt  }
0x4b: {  	_ =	shalt  }
0x4c: {  	_ =	shalt  }
0x4d: {  	_ =	shalt  }
0x4e: {  	_ =	shalt  }
0x4f: {  	_ =	shalt  }
0x50: {  	_ =	shalt  }
0x51: {  	_ =	shalt  }
0x52: {  	_ =	shalt  }
0x53: {  	_ =	shalt  }
0x54: {  	_ =	shalt  }
0x55: {  	_ =	shalt  }
0x56: {  	_ =	shalt  }
0x57: {  	_ =	shalt  }
0x58: {  	_ =	shalt  }
0x59: {  	_ =	shalt  }
0x5a: {  	_ =	shalt  }
0x5b: {  	_ =	shalt  }
0x5c: {  	_ =	shalt  }
0x5d: {  	_ =	shalt  }
0x5e: {  	_ =	shalt  }
0x5f: {  	_ =	shalt  }
0x60: {  	_ =	shalt  }
0x61: {  	_ =	shalt  }
0x62: {  	_ =	shalt  }
0x63: {  	_ =	shalt  }
0x64: {  	_ =	shalt  }
0x65: {  	_ =	shalt  }
0x66: {  	_ =	shalt  }
0x67: {  	_ =	shalt  }
0x68: {  	_ =	shalt  }
0x69: {  	_ =	shalt  }
0x6a: {  	_ =	shalt  }
0x6b: {  	_ =	shalt  }
0x6c: {  	_ =	shalt  }
0x6d: {  	_ =	shalt  }
0x6e: {  	_ =	shalt  }
0x6f: {  	_ =	shalt  }
0x70: {  	_ =	shalt  }
0x71: {  	_ =	shalt  }
0x72: {  	_ =	shalt  }
0x73: {  	_ =	shalt  }
0x74: {  	_ =	shalt  }
0x75: {  	_ =	shalt  }
0x76: {  	_ =	shalt  }
0x77: {  	_ =	shalt  }
0x78: {  	_ =	shalt  }
0x79: {  	_ =	shalt  }
0x7a: {  	_ =	shalt  }
0x7b: {  	_ =	shalt  }
0x7c: {  	_ =	shalt  }
0x7d: {  	_ =	shalt  }
0x7e: {  	_ =	shalt  }
0x7f: {  	_ =	shalt  }
0x80: {  	_ =	shalt  }
0x81: {  	_ =	shalt  }
0x82: {  	_ =	shalt  }
0x83: {  	_ =	shalt  }
0x84: {  	_ =	shalt  }
0x85: {  	_ =	shalt  }
0x86: {  	_ =	shalt  }
0x87: {  	_ =	shalt  }
.Lfunc_end0:
.L_simem_size_0:
called_computation_lowered:
.L_overlay_start_0:
0x88: {  	s2 =	sld [smem:$0x3FD9]  }
0x89: {  	s3 =	sld [smem:$0x3FFE];
	_ =	sdelay $0x1  }
0x8a: {  	s1 =	srdreg.scid  }
0x8b: {  	s0 =	sand.u32 $0x1, s1  }
0x8c: {  	s16 =	sshll.u32 s0, $0xA;
	s2 =	sadd.s32 s3, s2  }
0x8d: {  	s2 =	sadd.s32 s2, s16  }
0x8e: {  	[smem:$0x3FBC] =	sst s2  }
0x8f: {  	_ = 	snop  }
0x90: {  	(tm) =	ssettm $0x1  }
0x91: {  	s17 =	sld [smem:$0x3FFB];
	_ =	sdelay $0x3  }
0x92: {  	_ =	strace s17  }
0x93: {  	s2 =	sld [smem:$0x3FFC];
	_ =	sdelay $0x3  }
0x94: {  	_ =	strace s2  }
0x95: {  	s2 =	sld [smem:$0x3FFD];
	_ =	sdelay $0x3  }
0x96: {  	_ =	strace s2  }
0x97: {  	_ =	strace $0x8FFFFFFF  }
0x98: {  	s18 =	sld [smem:$0x3FDB];
	_ =	sdelay $0x1  }
0x99: {  	s19 =	simm.s32 $_scs_section_size  }
0x9a: {  	s4 =	simm.s32 $_size__tile_overlayer_lowered;
	s5 =	simm.s32 $_tile_overlayer_lowered  }
0x9b: {  	s22 =	simm.s32 $0x1BFF;
	s21 =	sshll.u32 s5, $0x1;
	s2 =	sadd.s32 s19, s18  }
0x9c: {  	s6 =	simm.s32 $0x0;
	s20 =	sshll.u32 s4, $0x1;
	s4 =	sadd.s32 s21, s2  }
0x9d: {  	[timem:s6], [sflag:s22] =	dma.local [hbm:s4], s20  }
0x9e: {  	_ =	swait.ge [sflag:s22], s20  }
0x9f: {  	s3 =	ssub.s32 $0x0, s20;
	[sflag:s22] =	ssyncset.done $0x0  }
0xa0: {  	[sflag:s22] =	ssyncadd.s32 s3;
	_ =	sdelay $0x1  }
0xa1: {  	s23 =	simm.s32 $0x1B8B  }
0xa2: {  	_ =	swait.ge [sflag:s23], $0x1  }
0xa3: {  	[sflag:s23] =	ssyncset.done $0x0  }
0xa4: {  	s25 =	simm.s32 $0x1B8E;
	s24 =	sld [smem:$0x3FFE];
	[sflag:s23] =	ssyncadd.s32 $0xFFFFFFFF  }
0xa5: {  	s26 =	simm.s32 $execute0_lowered;
	[smem:$0x3FD2] =	sst s25  }
0xa6: {  	s4 =	sshll.u32 s26, $0x1;
	_ =	strace $0x80000046;
	[dreg:$0x1] =	wrdreg $0xFFFFFFFF  }
0xa7: {  	s28 =	simm.s32 $_size_execute0_lowered;
	s2 =	sadd.s32 s2, s4;
	[dreg:$0x0] =	wrdreg $0x0  }
0xa8: {  	s4 =	sshll.u32 s28, $0x1;
	[dreg:$0x2] =	wrdreg s2  }
0xa9: {  	[dreg:$0x3] =	wrdreg s4  }
0xaa: {  	[dreg:$0x4] =	wrdreg $0xC0  }
0xab: {  	_ =	task [dreg:s6], $0x5FFFF  }
0xac: {  	[dreg:$0x1] =	wrdreg $0xFFFFFFFF  }
0xad: {  	[dreg:$0x0] =	wrdreg $0x60  }
0xae: {  	[dreg:$0x2] =	wrdreg s24  }
0xaf: {  	[dreg:$0x3] =	wrdreg $0x28800  }
0xb0: {  	[dreg:$0x4] =	wrdreg $0x9  }
0xb1: {  	_ =	task.clear_ibuf [dreg:s6], $0x5FFFF;
	_ =	strace $0x90000046  }
0xb2: {  	s29 =	simm.s32 $0x9;
	_ =	strace $0x80000048  }
0xb3: {  	_ =	swait.ge [sflag:s29], $0x1  }
0xb4: {  	[sflag:s29] =	ssyncadd.s32 $0xFFFFFFFF  }
0xb5: {  	_ =	strace $0x90000048  }
0xb6: {  	_ =	sfence  }
0xb7: {  	s30 =	sld [smem:$0x0];
	_ =	sdelay $0x2  }
0xb8: {  	s31 =	sshll.u32 s1, $0xD;
	s1 =	sshrl.u32 s1, $0x2  }
0xb9: {  	s3 =	sand.u32 $0x4000, s31;
	s1 =	sadd.s32 s1, s30  }
0xba: {  	s0 =	sor.u32 s3, s0;
	s1 =	sshll.u32 s1, $0x11  }
0xbb: {  	s0 =	sor.u32 s1, s0  }
0xbc: {  	s0 =	sadd.s32 $0x8F2B, s0  }
0xbd: {  	[sflag:s0] =	ssyncadd.remote.s32 $0x1  }
0xbe: {  	_ =	sfence.sel $0xFFFF  }
0xbf: {  	[dreg:$0x0] =	wrdreg $0xFFFFFFFF;
	(pc) =	sbr.abs _section_cstart, $3  }
0xc0: {  	[dreg:$0x1] =	wrdreg $0xFFFFFFFF  }
0xc1: {  	_ =	task.clear_ibuf [dreg:s6], $0x2FFFF;
	_ =	strace $0x9FFFFFFF  }
0xc2: {  	(tm) =	ssettm $0x7FFFFFFF  }
0xc3: {  	_ =	shalt  }
tec
execute0_lowered:
.L_overlay_start_1:
0x0: {  	(tag) =	ssettag $0x1  }
0x1: {  	s5 =	rddreg [dreg:$0x0]  }
0x2: {  	s0 =	srdreg.scid;
	s2 =	rddreg [dreg:$0x1]  }
0x3: {  	s1 =	rddreg [dreg:$0x2];
	s3 =	simm.s32 $0x0;
	s12 =	simm.s32 $0x2800  }
0x4: {  	s13 =	simm.s32 $0x1;
	s14 =	simm.s32 $0x20;
	s6 =	sand.u32 $0x1, s0  }
0x5: {  	s15 =	simm.s32 $0x10;
	s0 =	stileid.u32;
	s4 =	smul.u32 $0x28000, s6  }
0x6: {  	s16 =	simm.s32 $0x0;
	[smem:$0x7FF] =	sst s3;
	s7 =	smul.u32 $0x2800, s0  }
0x7: {  	s28 =	smul.u32 $0x500, s0;
	_ =	strace $0x80000047;
	s8 =	sshll.u32 s6, $0x7  }
0x8: {  	s29 =	smul.u32 $0xA00, s0;
	s6 =	ssub.s32 $0x2, s6;
	s31 =	sshll.u32 s0, $0x6  }
0x9: {  	s30 =	sshrl.u32 s6, $0x1;
	s4 =	sadd.s32 s7, s4;
	s7 =	sor.u32 s8, s28  }
0xa: {  	s8 =	sshrl.u32 s29, $0x2;
	s10 =	ssub.s32 s6, s30;
	s4 =	sshrl.u32 s4, $0x3  }
0xb: {  	s7 =	sshrl.u32 s7, $0x3;
	s11 =	sadd.s32 s8, s2;
	s8 =	simm.s32 $0x2  }
0xc: {  	s9 =	sadd.s32 s4, s5;
	s4 =	sadd.s32 $0xE000, s5;
	s7 =	sadd.s32 s7, s5  }
0xd: {  	s5 =	sadd.s32 $0x4000, s9;
	s6 =	sadd.s32 $0xE200, s7;
	s7 =	smax.u32 s10, $0x1  }
0xe: {  	v0 =	vimm.f32 $1.000000000e+00;
	s9 =	sor.u32 $0x1C02, s31;
	s10 =	sshrl.u32 s11, $0x3;
	s11 =	simm.s32 $0x80  }
.LBB2_1:
0xf: {  	[tilespmem:s3], [sflag:$0x2] =	stream.linear.gather [hbm4b:s5+s3], $0x2800, $0x38;
	[tilespmem:$0x2B00] =	vst v63  }
0x10: {  	_ =	swait.ge [sflag:s8], $0x2800  }
0x11: {  	[sflag:s8] =	ssyncset.done $0x0  }
0x12: {  	[sflag:s8] =	ssyncadd.s32 $0xFFFFD800  }
0x13: {  	[tilespmem:$0x2800] =	vst v0  }
0x14: {  	[tilespmem:$0x2810] =	vst v0  }
0x15: {  	[tilespmem:$0x2820] =	vst v0  }
0x16: {  	[tilespmem:$0x2830] =	vst v0  }
0x17: {  	[tilespmem:$0x2840] =	vst v0  }
0x18: {  	[tilespmem:$0x2850] =	vst v0  }
0x19: {  	[tilespmem:$0x2860] =	vst v0  }
0x1a: {  	[tilespmem:$0x2870] =	vst v0  }
0x1b: {  	[spmem:s10], [sflag:s9] =	dma.local [hbm:s4], $0x50  }
0x1c: {  	_ =	swait.ge [sflag:s8], $0x50  }
0x1d: {  	[sflag:s8] =	ssyncset.done $0x0  }
0x1e: {  	[sflag:s8] =	ssyncadd.s32 $0xFFFFFFB0  }
0x1f: {  	s17 =	simm.s32 $0x0;
	[bflag:$0x0] =	sbarrier.arrive $0xFFFF  }
0x20: {  	[spmem:s2] =	stream.indirect.scatter.add.f32 [tilespmem:s12], [sflag:$0x1], $0x1, s17, s11, $0xb8;
	[tilespmem:$0x2B00] =	vst v63  }
0x21: {  	s24 =	simm.s32 $0x80  }
0x22: {  	[spmem:s2] =	stream.indirect.scatter.add.f32 [tilespmem:s12], [sflag:$0x1], $0x1, s24, s11, $0xb8;
	[tilespmem:$0x2B00] =	vst v63  }
0x23: {  	s25 =	simm.s32 $0x100  }
0x24: {  	[spmem:s2] =	stream.indirect.scatter.add.f32 [tilespmem:s12], [sflag:$0x1], $0x1, s25, s11, $0xb8;
	[tilespmem:$0x2B00] =	vst v63  }
0x25: {  	s26 =	simm.s32 $0x180  }
0x26: {  	[spmem:s2] =	stream.indirect.scatter.add.f32 [tilespmem:s12], [sflag:$0x1], $0x1, s26, s11, $0xb8;
	[tilespmem:$0x2B00] =	vst v63  }
0x27: {  	s28 =	simm.s32 $0x200  }
0x28: {  	[spmem:s2] =	stream.indirect.scatter.add.f32 [tilespmem:s12], [sflag:$0x1], $0x1, s28, s11, $0xb8;
	[tilespmem:$0x2B00] =	vst v63  }
0x29: {  	s29 =	simm.s32 $0x280  }
0x2a: {  	[spmem:s2] =	stream.indirect.scatter.add.f32 [tilespmem:s12], [sflag:$0x1], $0x1, s29, s11, $0xb8;
	[tilespmem:$0x2B00] =	vst v63  }
0x2b: {  	s30 =	simm.s32 $0x300  }
0x2c: {  	[spmem:s2] =	stream.indirect.scatter.add.f32 [tilespmem:s12], [sflag:$0x1], $0x1, s30, s11, $0xb8;
	[tilespmem:$0x2B00] =	vst v63  }
0x2d: {  	s31 =	simm.s32 $0x380  }
0x2e: {  	[spmem:s2] =	stream.indirect.scatter.add.f32 [tilespmem:s12], [sflag:$0x1], $0x1, s31, s11, $0xb8;
	[tilespmem:$0x2B00] =	vst v63  }
0x2f: {  	_ =	swait.ge [sflag:s13], $0x80  }
0x30: {  	[sflag:s13] =	ssyncset.done $0x0  }
0x31: {  	[sflag:s13] =	ssyncadd.s32 $0xFFFFFF80  }
0x32: {  	_ =	swait.ge [sflag:s13], $0x80  }
0x33: {  	[sflag:s13] =	ssyncset.done $0x0  }
0x34: {  	[sflag:s13] =	ssyncadd.s32 $0xFFFFFF80  }
0x35: {  	_ =	swait.ge [sflag:s13], $0x80  }
0x36: {  	[sflag:s13] =	ssyncset.done $0x0  }
0x37: {  	[sflag:s13] =	ssyncadd.s32 $0xFFFFFF80  }
0x38: {  	_ =	swait.ge [sflag:s13], $0x80  }
0x39: {  	[sflag:s13] =	ssyncset.done $0x0  }
0x3a: {  	[sflag:s13] =	ssyncadd.s32 $0xFFFFFF80  }
0x3b: {  	_ =	swait.ge [sflag:s13], $0x80  }
0x3c: {  	[sflag:s13] =	ssyncset.done $0x0  }
0x3d: {  	[sflag:s13] =	ssyncadd.s32 $0xFFFFFF80  }
0x3e: {  	_ =	swait.ge [sflag:s13], $0x80  }
0x3f: {  	[sflag:s13] =	ssyncset.done $0x0  }
0x40: {  	[sflag:s13] =	ssyncadd.s32 $0xFFFFFF80  }
0x41: {  	_ =	swait.ge [sflag:s13], $0x80  }
0x42: {  	[sflag:s13] =	ssyncset.done $0x0  }
0x43: {  	[sflag:s13] =	ssyncadd.s32 $0xFFFFFF80  }
0x44: {  	_ =	swait.ge [sflag:s13], $0x80  }
0x45: {  	s19 =	simm.s32 $0x2000;
	s17 =	simm.s32 $0x1000;
	[sflag:s13] =	ssyncset.done $0x0  }
.LBB2_2:
0x46: {  	s20 =	sshra.s32 s17, $0x2  }
0x47: {  	[sflag:s13] =	ssyncadd.s32 $0xFFFFFF80;
	s17 =	smov.u32 s19;
	s18 =	sadd.s32 $0x1000, s19  }
0x48: {  	[spmem:s2] =	stream.indirect.scatter.add.f32 [tilespmem:s12], [sflag:$0x1], $0x1, s20, s11, $0xb8;
	[tilespmem:$0x2B00] =	vst v63  }
0x49: {  	p0 =	sne.s32 s19, $0x9000;
	s19 =	sadd.s32 $0x80, s20  }
0x4a: {  	[spmem:s2] =	stream.indirect.scatter.add.f32 [tilespmem:s12], [sflag:$0x1], $0x1, s19, s11, $0xb8;
	[tilespmem:$0x2B00] =	vst v63  }
0x4b: {  	s19 =	sadd.s32 $0x100, s20  }
0x4c: {  	[spmem:s2] =	stream.indirect.scatter.add.f32 [tilespmem:s12], [sflag:$0x1], $0x1, s19, s11, $0xb8;
	[tilespmem:$0x2B00] =	vst v63  }
0x4d: {  	s19 =	sadd.s32 $0x180, s20  }
0x4e: {  	[spmem:s2] =	stream.indirect.scatter.add.f32 [tilespmem:s12], [sflag:$0x1], $0x1, s19, s11, $0xb8;
	[tilespmem:$0x2B00] =	vst v63  }
0x4f: {  	s19 =	sadd.s32 $0x200, s20  }
0x50: {  	[spmem:s2] =	stream.indirect.scatter.add.f32 [tilespmem:s12], [sflag:$0x1], $0x1, s19, s11, $0xb8;
	[tilespmem:$0x2B00] =	vst v63  }
0x51: {  	s19 =	sadd.s32 $0x280, s20  }
0x52: {  	[spmem:s2] =	stream.indirect.scatter.add.f32 [tilespmem:s12], [sflag:$0x1], $0x1, s19, s11, $0xb8;
	[tilespmem:$0x2B00] =	vst v63  }
0x53: {  	s19 =	sadd.s32 $0x300, s20  }
0x54: {  	[spmem:s2] =	stream.indirect.scatter.add.f32 [tilespmem:s12], [sflag:$0x1], $0x1, s19, s11, $0xb8;
	[tilespmem:$0x2B00] =	vst v63  }
0x55: {  	s19 =	sadd.s32 $0x380, s20  }
0x56: {  	[spmem:s2] =	stream.indirect.scatter.add.f32 [tilespmem:s12], [sflag:$0x1], $0x1, s19, s11, $0xb8;
	[tilespmem:$0x2B00] =	vst v63  }
0x57: {  	_ =	swait.ge [sflag:s13], $0x80  }
0x58: {  	[sflag:s13] =	ssyncset.done $0x0  }
0x59: {  	[sflag:s13] =	ssyncadd.s32 $0xFFFFFF80  }
0x5a: {  	_ =	swait.ge [sflag:s13], $0x80  }
0x5b: {  	[sflag:s13] =	ssyncset.done $0x0  }
0x5c: {  	[sflag:s13] =	ssyncadd.s32 $0xFFFFFF80  }
0x5d: {  	_ =	swait.ge [sflag:s13], $0x80  }
0x5e: {  	[sflag:s13] =	ssyncset.done $0x0  }
0x5f: {  	[sflag:s13] =	ssyncadd.s32 $0xFFFFFF80  }
0x60: {  	_ =	swait.ge [sflag:s13], $0x80  }
0x61: {  	[sflag:s13] =	ssyncset.done $0x0  }
0x62: {  	[sflag:s13] =	ssyncadd.s32 $0xFFFFFF80  }
0x63: {  	_ =	swait.ge [sflag:s13], $0x80  }
0x64: {  	[sflag:s13] =	ssyncset.done $0x0  }
0x65: {  	[sflag:s13] =	ssyncadd.s32 $0xFFFFFF80  }
0x66: {  	_ =	swait.ge [sflag:s13], $0x80  }
0x67: {  	[sflag:s13] =	ssyncset.done $0x0  }
0x68: {  	[sflag:s13] =	ssyncadd.s32 $0xFFFFFF80  }
.Ltmp0:
0x69: {  	_ =	swait.ge [sflag:s13], $0x80;
	(pc) =	sbr.rel @p0 .LBB2_2-.Ltmp0, $4  }
0x6a: {  	[sflag:s13] =	ssyncset.done $0x0  }
0x6b: {  	[sflag:s13] =	ssyncadd.s32 $0xFFFFFF80  }
0x6c: {  	_ =	swait.ge [sflag:s13], $0x80  }
0x6d: {  	s19 =	smov.u32 s18;
	[sflag:s13] =	ssyncset.done $0x0  }
0x6e: {  	s17 =	sshra.s32 s17, $0x2;
	[sflag:s13] =	ssyncadd.s32 $0xFFFFFF80  }
0x6f: {  	[spmem:s2] =	stream.indirect.scatter.add.f32 [tilespmem:s12], [sflag:$0x1], $0x1, s17, s11, $0xb8;
	[tilespmem:$0x2B00] =	vst v63  }
0x70: {  	s18 =	sadd.s32 $0x80, s17  }
0x71: {  	[spmem:s2] =	stream.indirect.scatter.add.f32 [tilespmem:s12], [sflag:$0x1], $0x1, s18, s11, $0xb8;
	[tilespmem:$0x2B00] =	vst v63  }
0x72: {  	s26 =	sadd.s32 $0x100, s17  }
0x73: {  	[spmem:s2] =	stream.indirect.scatter.add.f32 [tilespmem:s12], [sflag:$0x1], $0x1, s26, s11, $0xb8;
	[tilespmem:$0x2B00] =	vst v63  }
0x74: {  	s28 =	sadd.s32 $0x180, s17  }
0x75: {  	[spmem:s2] =	stream.indirect.scatter.add.f32 [tilespmem:s12], [sflag:$0x1], $0x1, s28, s11, $0xb8;
	[tilespmem:$0x2B00] =	vst v63  }
0x76: {  	s29 =	sadd.s32 $0x200, s17  }
0x77: {  	[spmem:s2] =	stream.indirect.scatter.add.f32 [tilespmem:s12], [sflag:$0x1], $0x1, s29, s11, $0xb8;
	[tilespmem:$0x2B00] =	vst v63  }
0x78: {  	s30 =	sadd.s32 $0x280, s17  }
0x79: {  	[spmem:s2] =	stream.indirect.scatter.add.f32 [tilespmem:s12], [sflag:$0x1], $0x1, s30, s11, $0xb8;
	[tilespmem:$0x2B00] =	vst v63  }
0x7a: {  	s31 =	sadd.s32 $0x300, s17  }
0x7b: {  	[spmem:s2] =	stream.indirect.scatter.add.f32 [tilespmem:s12], [sflag:$0x1], $0x1, s31, s11, $0xb8;
	[tilespmem:$0x2B00] =	vst v63  }
0x7c: {  	s17 =	sadd.s32 $0x380, s17  }
0x7d: {  	[spmem:s2] =	stream.indirect.scatter.add.f32 [tilespmem:s12], [sflag:$0x1], $0x1, s17, s11, $0xb8;
	[tilespmem:$0x2B00] =	vst v63  }
0x7e: {  	_ =	swait.ge [sflag:s13], $0x80  }
0x7f: {  	[sflag:s13] =	ssyncset.done $0x0  }
0x80: {  	[sflag:s13] =	ssyncadd.s32 $0xFFFFFF80  }
0x81: {  	_ =	swait.ge [sflag:s13], $0x80  }
0x82: {  	[sflag:s13] =	ssyncset.done $0x0  }
0x83: {  	[sflag:s13] =	ssyncadd.s32 $0xFFFFFF80  }
0x84: {  	_ =	swait.ge [sflag:s13], $0x80  }
0x85: {  	[sflag:s13] =	ssyncset.done $0x0  }
0x86: {  	[sflag:s13] =	ssyncadd.s32 $0xFFFFFF80  }
0x87: {  	_ =	swait.ge [sflag:s13], $0x80  }
0x88: {  	[sflag:s13] =	ssyncset.done $0x0  }
0x89: {  	[sflag:s13] =	ssyncadd.s32 $0xFFFFFF80  }
0x8a: {  	_ =	swait.ge [sflag:s13], $0x80  }
0x8b: {  	[sflag:s13] =	ssyncset.done $0x0  }
0x8c: {  	[sflag:s13] =	ssyncadd.s32 $0xFFFFFF80  }
0x8d: {  	_ =	swait.ge [sflag:s13], $0x80  }
0x8e: {  	[sflag:s13] =	ssyncset.done $0x0  }
0x8f: {  	[sflag:s13] =	ssyncadd.s32 $0xFFFFFF80  }
0x90: {  	_ =	swait.ge [sflag:s13], $0x80  }
0x91: {  	[sflag:s13] =	ssyncset.done $0x0  }
0x92: {  	[sflag:s13] =	ssyncadd.s32 $0xFFFFFF80  }
0x93: {  	_ =	swait.ge [sflag:s13], $0x80  }
0x94: {  	s16 =	sadd.s32 $0x1, s16;
	[sflag:s13] =	ssyncset.done $0x0  }
0x95: {  	p0 =	sne.s32 s16, s7;
	[sflag:s13] =	ssyncadd.s32 $0xFFFFFF80  }
.Ltmp1:
0x96: {  	[bflag:$0x0] =	sbarrier.arrive $0xFFFF;
	(pc) =	sbr.rel @p0 .LBB2_1-.Ltmp1, $4  }
0x97: {  	[hbm:s6@s14], [sflag:s9] =	dma.strided [spmem:s10@s15], $0x50, s13, $0x10   }
0x98: {  	_ =	swait.ge [sflag:s8], $0x50  }
0x99: {  	[sflag:s8] =	ssyncset.done $0x0  }
0x9a: {  	[sflag:s8] =	ssyncadd.s32 $0xFFFFFFB0  }
0x9b: {  	_ =	sfence.sel $0x180000  }
0x9c: {  	[bflag:$0x0] =	sbarrier.arrive $0xFFFF  }
0x9d: {  	p0 =	sne.s32 s0, $0x0;
	_ =	strace $0x90000047  }
0x9e: {  	s0 =	sadd.s32 @!p0 $0x100000, s1;
	[bflag:$0x2] =	sbarrier.arrive $0xFFFF  }
0x9f: {  	[sflag:s0] =	ssyncadd.tile.s32 @!p0 $0x1;
	_ =	shalt  }
.Lfunc_end2:
_tile_overlayer_lowered:
.L_overlay_start_2:
0xa0: {  	(tag) =	ssettag $0x2  }
0xa1: {  	s0 =	rddreg [dreg:$0x0];
	s2 =	stileid.u32  }
0xa2: {  	s1 =	rddreg [dreg:$0x1];
	p0 =	sne.s32 s2, $0x0  }
0xa3: {  	s3 =	rddreg [dreg:$0x2];
	[bflag:$0x3] =	sbarrier.arrive $0xFFFF;
	s2 =	simm.s32 @!p0 $0x1C02  }
0xa4: {  	[timem:s3], [sflag:s2] =	dma.local @!p0 [hbm:s0], s1  }
0xa5: {  	s0 =	simm.s32 @!p0 $0x2  }
0xa6: {  	_ =	swait.ge @!p0 [sflag:s0], s1  }
0xa7: {  	s1 =	ssub.s32 @!p0 $0x0, s1;
	[sflag:s0] =	ssyncset.done @!p0 $0x0  }
0xa8: {  	[sflag:s0] =	ssyncadd.s32 @!p0 s1  }
0xa9: {  	[bflag:$0x3] =	sbarrier.arrive $0xFFFF  }
0xaa: {  	_ =	shalt  }

// kernel: kernel.13.cloned.1.call-start
scs
__scs_entry_jumppad:
0x0: {  	(pc) =	sbr.rel $0x88, $3  }
0x1: {  	(tag) =	ssettag $0x0;
	lr =	simm.s32 $0x1  }
0x2: {  	[smem:$0x3F95] =	sst lr;
	_ =	strace $0xD0000000  }
0x3: {  	_ = 	snop  }
0x4: {  	_ = 	snop  }
0x5: {  	_ = 	snop  }
0x6: {  	_ = 	snop  }
0x7: {  	_ = 	snop  }
__scs_overlays_trampoline_lowered:
0x8: {  	[smem:$0x3FA4] =	sst s0  }
0x9: {  	[smem:$0x3FA5] =	sst s1  }
0xa: {  	[smem:$0x3FA6] =	sst s2  }
0xb: {  	[smem:$0x3FA7] =	sst s3  }
0xc: {  	[smem:$0x3FA8] =	sst s4  }
0xd: {  	[smem:$0x3FA9] =	sst s5  }
0xe: {  	[smem:$0x3FAA] =	sst s6  }
0xf: {  	[smem:$0x3FAB] =	sst s7  }
0x10: {  	[smem:$0x3FAC] =	sst s8  }
0x11: {  	[smem:$0x3FAD] =	sst s9;
	s0 =	simm.s32 @!p0 $0x0  }
0x12: {  	s1 =	sld [smem:$0x3F93];
	s0 =	simm.s32 @p0 $0x1  }
0x13: {  	[smem:$0x3FAE] =	sst s0;
	s0 =	simm.s32 @!p1 $0x0  }
0x14: {  	s2 =	sld [smem:$0x3F92];
	s0 =	simm.s32 @p1 $0x1  }
0x15: {  	[smem:$0x3FAF] =	sst s0;
	s0 =	simm.s32 @!p2 $0x0  }
0x16: {  	s3 =	sld [smem:$0x3FDB];
	s0 =	simm.s32 @p2 $0x1  }
0x17: {  	s4 =	simm.s32 $0x1BF5;
	[smem:$0x3FB1] =	sst s0  }
0x18: {  	s0 =	sld [smem:$0x3F94];
	_ =	swait.ge [sflag:s4], $0x0  }
0x19: {  	s7 =	sld [smem:$0x3F95]  }
0x1a: {  	s8 =	sadd.s32 $0xFFFFE003, lr  }
0x1b: {  	s9 =	sadd.s32 $0xFFFFFEF7, lr;
	s5 =	simm.s32 $0xFFFFFFFF;
	p2 =	slt.u32 s8, $0xFFFFF086  }
0x1c: {  	p1 =	slt.u32 s9, $0xF7A;
	s5 =	simm.s32 @!p2 $0x0  }
0x1d: {  	s5 =	simm.s32 @p1 $0x1;
	p0 =	seq.s32 s7, s2  }
0x1e: {  	s7 =	smul.u32 @!p0 $0xF7A, s2;
	p2 =	seq.s32 @!p0 s5, $0x0  }
0x1f: {  	s9 =	smul.u32 $0xF7A, s1;
	s8 =	simm.s32 @!p0 $0x1BF5;
	p2 =	por !p2, p0  }
0x20: {  	[sflag:s8] =	ssyncset.s32 @!p0 $0xFFFFF086;
	s6 =	sadd.s32 @!p0 s3, s7;
	s7 =	simm.s32 @!p0 $0x108  }
0x21: {  	s3 =	sadd.s32 s3, s9;
	s6 =	sadd.s32 @!p0 $0x88, s6;
	s7 =	simm.s32 @p2 $0x1082  }
0x22: {  	[simem:s7], [sflag:s8] =	dma.local @!p0 [hbm:s6], $0xF7A  }
0x23: {  	s9 =	sor.u32 $0xD0000000, s2;
	s6 =	simm.s32 $0x108;
	_ =	swait.ge @!p0 [sflag:s8], $0x0  }
0x24: {  	s3 =	sadd.s32 $0x88, s3;
	s6 =	simm.s32 @!p1 $0x1082;
	[sflag:s4] =	ssyncset.s32 $0xFFFFF086  }
0x25: {  	[simem:s6], [sflag:s4] =	dma.local [hbm:s3], $0xF7A  }
0x26: {  	[smem:$0x3F95] =	sst s1;
	(tag) =	ssettag s2;
	_ =	strace s9  }
0x27: {  	s1 =	sld [smem:$0x3FA5]  }
0x28: {  	s2 =	sld [smem:$0x3FA6]  }
0x29: {  	s4 =	sld [smem:$0x3FA8]  }
0x2a: {  	p0 =	seq.s32 s5, $0x0;
	s5 =	sld [smem:$0x3FA9]  }
0x2b: {  	s6 =	sld [smem:$0x3FAA]  }
0x2c: {  	s7 =	sld [smem:$0x3FAB]  }
0x2d: {  	s3 =	simm.s32 $0x108;
	s8 =	sld [smem:$0x3FAC]  }
0x2e: {  	s3 =	simm.s32 @!p0 $0x1082;
	s9 =	sld [smem:$0x3FAD]  }
0x2f: {  	lr =	sadd.s32 s0, s3;
	s0 =	sld [smem:$0x3FA4]  }
0x30: {  	s3 =	sld [smem:$0x3FA7]  }
0x31: {  	[smem:$0x3FB0] =	sst s10  }
0x32: {  	s10 =	sld [smem:$0x3FAE];
	_ =	sdelay $0x3  }
0x33: {  	p0 =	seq.s32 s10, $0x1;
	s10 =	sld [smem:$0x3FB0];
	_ =	sdelay $0x3  }
0x34: {  	[smem:$0x3FB0] =	sst s10  }
0x35: {  	s10 =	sld [smem:$0x3FAF];
	_ =	sdelay $0x3  }
0x36: {  	p1 =	seq.s32 s10, $0x1;
	s10 =	sld [smem:$0x3FB0];
	_ =	sdelay $0x3  }
0x37: {  	[smem:$0x3FB0] =	sst s10  }
0x38: {  	s10 =	sld [smem:$0x3FB1]  }
0x39: {  	_ = 	snop;
	(pc) =	sbr.ind lr, $3  }
0x3a: {  	_ = 	snop  }
0x3b: {  	_ = 	snop  }
0x3c: {  	p2 =	seq.s32 s10, $0x1;
	s10 =	sld [smem:$0x3FB0]  }
0x3d: {  	_ =	shalt  }
0x3e: {  	_ =	shalt  }
0x3f: {  	_ =	shalt  }
0x40: {  	_ =	shalt  }
0x41: {  	_ =	shalt  }
0x42: {  	_ =	shalt  }
0x43: {  	_ =	shalt  }
0x44: {  	_ =	shalt  }
0x45: {  	_ =	shalt  }
0x46: {  	_ =	shalt  }
0x47: {  	_ =	shalt  }
0x48: {  	_ =	shalt  }
0x49: {  	_ =	shalt  }
0x4a: {  	_ =	shalt  }
0x4b: {  	_ =	shalt  }
0x4c: {  	_ =	shalt  }
0x4d: {  	_ =	shalt  }
0x4e: {  	_ =	shalt  }
0x4f: {  	_ =	shalt  }
0x50: {  	_ =	shalt  }
0x51: {  	_ =	shalt  }
0x52: {  	_ =	shalt  }
0x53: {  	_ =	shalt  }
0x54: {  	_ =	shalt  }
0x55: {  	_ =	shalt  }
0x56: {  	_ =	shalt  }
0x57: {  	_ =	shalt  }
0x58: {  	_ =	shalt  }
0x59: {  	_ =	shalt  }
0x5a: {  	_ =	shalt  }
0x5b: {  	_ =	shalt  }
0x5c: {  	_ =	shalt  }
0x5d: {  	_ =	shalt  }
0x5e: {  	_ =	shalt  }
0x5f: {  	_ =	shalt  }
0x60: {  	_ =	shalt  }
0x61: {  	_ =	shalt  }
0x62: {  	_ =	shalt  }
0x63: {  	_ =	shalt  }
0x64: {  	_ =	shalt  }
0x65: {  	_ =	shalt  }
0x66: {  	_ =	shalt  }
0x67: {  	_ =	shalt  }
0x68: {  	_ =	shalt  }
0x69: {  	_ =	shalt  }
0x6a: {  	_ =	shalt  }
0x6b: {  	_ =	shalt  }
0x6c: {  	_ =	shalt  }
0x6d: {  	_ =	shalt  }
0x6e: {  	_ =	shalt  }
0x6f: {  	_ =	shalt  }
0x70: {  	_ =	shalt  }
0x71: {  	_ =	shalt  }
0x72: {  	_ =	shalt  }
0x73: {  	_ =	shalt  }
0x74: {  	_ =	shalt  }
0x75: {  	_ =	shalt  }
0x76: {  	_ =	shalt  }
0x77: {  	_ =	shalt  }
0x78: {  	_ =	shalt  }
0x79: {  	_ =	shalt  }
0x7a: {  	_ =	shalt  }
0x7b: {  	_ =	shalt  }
0x7c: {  	_ =	shalt  }
0x7d: {  	_ =	shalt  }
0x7e: {  	_ =	shalt  }
0x7f: {  	_ =	shalt  }
0x80: {  	_ =	shalt  }
0x81: {  	_ =	shalt  }
0x82: {  	_ =	shalt  }
0x83: {  	_ =	shalt  }
0x84: {  	_ =	shalt  }
0x85: {  	_ =	shalt  }
0x86: {  	_ =	shalt  }
0x87: {  	_ =	shalt  }
.Lfunc_end0:
.L_simem_size_0:
called_computation.1_lowered:
.L_overlay_start_0:
0x88: {  	s2 =	sld [smem:$0x3FD9]  }
0x89: {  	s3 =	sld [smem:$0x3FFE];
	_ =	sdelay $0x1  }
0x8a: {  	s1 =	srdreg.scid  }
0x8b: {  	s0 =	sand.u32 $0x1, s1  }
0x8c: {  	s17 =	sshll.u32 s0, $0xA;
	s2 =	sadd.s32 s3, s2  }
0x8d: {  	s2 =	sadd.s32 s2, s17  }
0x8e: {  	[smem:$0x3FBC] =	sst s2  }
0x8f: {  	_ = 	snop  }
0x90: {  	s2 =	sld [smem:$0x3FD0];
	(tm) =	ssettm $0x1  }
0x91: {  	s18 =	sld [smem:$0x3FFB];
	_ =	sdelay $0x3  }
0x92: {  	_ =	strace s18  }
0x93: {  	s3 =	sld [smem:$0x3FFC];
	_ =	sdelay $0x3  }
0x94: {  	_ =	strace s3  }
0x95: {  	s3 =	sld [smem:$0x3FFD];
	_ =	sdelay $0x3  }
0x96: {  	_ =	strace s3  }
0x97: {  	_ =	strace $0x8FFFFFFF  }
0x98: {  	s19 =	sld [smem:$0x3FDB];
	_ =	sdelay $0x1  }
0x99: {  	s4 =	simm.s32 $_scs_section_size  }
0x9a: {  	s5 =	simm.s32 $_size__tile_overlayer_lowered;
	s6 =	simm.s32 $_tile_overlayer_lowered  }
0x9b: {  	s22 =	simm.s32 $0x1BFF;
	s21 =	sshll.u32 s6, $0x1;
	s3 =	sadd.s32 s4, s19  }
0x9c: {  	s7 =	simm.s32 $0x0;
	s20 =	sshll.u32 s5, $0x1;
	s5 =	sadd.s32 s21, s3  }
0x9d: {  	[timem:s7], [sflag:s22] =	dma.local [hbm:s5], s20  }
0x9e: {  	_ =	swait.ge [sflag:s22], s20  }
0x9f: {  	s4 =	ssub.s32 $0x0, s20;
	[sflag:s22] =	ssyncset.done $0x0  }
0xa0: {  	[sflag:s22] =	ssyncadd.s32 s4;
	_ =	sdelay $0x1  }
0xa1: {  	s23 =	simm.s32 $0x1B8B  }
0xa2: {  	_ =	swait.ge [sflag:s23], $0x1  }
0xa3: {  	[sflag:s23] =	ssyncset.done $0x0  }
0xa4: {  	s25 =	simm.s32 $0x1B8E;
	s24 =	sld [smem:$0x3FFE];
	[sflag:s23] =	ssyncadd.s32 $0xFFFFFFFF  }
0xa5: {  	s26 =	simm.s32 $execute0_lowered;
	[smem:$0x3FD2] =	sst s25  }
0xa6: {  	s5 =	sshll.u32 s26, $0x1;
	_ =	strace $0x80000049;
	[dreg:$0x1] =	wrdreg $0xFFFFFFFF  }
0xa7: {  	s28 =	simm.s32 $_size_execute0_lowered;
	s3 =	sadd.s32 s3, s5;
	[dreg:$0x0] =	wrdreg $0x0  }
0xa8: {  	s5 =	sshll.u32 s28, $0x1;
	[dreg:$0x2] =	wrdreg s3  }
0xa9: {  	[dreg:$0x3] =	wrdreg s5  }
0xaa: {  	[dreg:$0x4] =	wrdreg $0xC0  }
0xab: {  	_ =	task [dreg:s7], $0x5FFFF  }
0xac: {  	[dreg:$0x1] =	wrdreg $0xFFFFFFFF  }
0xad: {  	[dreg:$0x0] =	wrdreg $0x60  }
0xae: {  	[dreg:$0x2] =	wrdreg s24  }
0xaf: {  	[dreg:$0x3] =	wrdreg s2  }
0xb0: {  	[dreg:$0x4] =	wrdreg $0x90000  }
0xb1: {  	[dreg:$0x5] =	wrdreg $0x9  }
0xb2: {  	_ =	task.clear_ibuf [dreg:s7], $0x6FFFF;
	_ =	strace $0x90000049  }
0xb3: {  	s29 =	simm.s32 $0x9;
	_ =	strace $0x8000004B  }
0xb4: {  	_ =	swait.ge [sflag:s29], $0x1  }
0xb5: {  	[sflag:s29] =	ssyncadd.s32 $0xFFFFFFFF  }
0xb6: {  	_ =	strace $0x9000004B  }
0xb7: {  	_ =	sfence  }
0xb8: {  	s30 =	sld [smem:$0x0];
	_ =	sdelay $0x2  }
0xb9: {  	s31 =	sshll.u32 s1, $0xD;
	s1 =	sshrl.u32 s1, $0x2  }
0xba: {  	s3 =	sand.u32 $0x4000, s31;
	s1 =	sadd.s32 s1, s30  }
0xbb: {  	s0 =	sor.u32 s3, s0;
	s1 =	sshll.u32 s1, $0x11  }
0xbc: {  	s0 =	sor.u32 s1, s0  }
0xbd: {  	s0 =	sadd.s32 $0x8F2B, s0  }
0xbe: {  	[sflag:s0] =	ssyncadd.remote.s32 $0x1  }
0xbf: {  	_ =	sfence.sel $0xFFFF  }
0xc0: {  	[dreg:$0x0] =	wrdreg $0xFFFFFFFF;
	(pc) =	sbr.abs _section_cstart, $3  }
0xc1: {  	[dreg:$0x1] =	wrdreg $0xFFFFFFFF  }
0xc2: {  	_ =	task.clear_ibuf [dreg:s7], $0x2FFFF;
	_ =	strace $0x9FFFFFFF  }
0xc3: {  	(tm) =	ssettm $0x7FFFFFFF  }
tec
execute0_lowered:
.L_overlay_start_1:
0x0: {  	(tag) =	ssettag $0x1  }
0x1: {  	s6 =	rddreg [dreg:$0x0]  }
0x2: {  	s7 =	rddreg [dreg:$0x1]  }
0x3: {  	s2 =	rddreg [dreg:$0x2]  }
0x4: {  	s0 =	srdreg.scid;
	s1 =	rddreg [dreg:$0x3]  }
0x5: {  	s3 =	simm.s32 $0x0;
	s14 =	simm.s32 $0x2;
	s5 =	sand.u32 $0x1, s0  }
0x6: {  	s15 =	simm.s32 $0x3;
	s0 =	stileid.u32;
	s4 =	smul.u32 $0x28000, s5  }
0x7: {  	s16 =	simm.s32 $0x80;
	s17 =	simm.s32 $0x5000;
	s8 =	smul.u32 $0x2800, s0  }
0x8: {  	s19 =	simm.s32 $0x4;
	[smem:$0x7FF] =	sst s3;
	s9 =	smul.u32 $0x140000, s5  }
0x9: {  	s20 =	simm.s32 $0x0;
	s10 =	smul.u32 $0x14000, s0;
	_ =	strace $0x8000004A  }
0xa: {  	s29 =	ssub.s32 $0x2, s5;
	s13 =	smul.u32 $0x50000, s0;
	s5 =	sadd.s32 $0x36000, s6  }
0xb: {  	s18 =	sshll.u32 s0, $0x6;
	s12 =	sshrl.u32 s29, $0x1;
	s8 =	sadd.s32 s8, s4  }
0xc: {  	s4 =	sadd.s32 $0xE000, s6;
	s9 =	sadd.s32 s10, s9;
	s10 =	ssub.s32 s29, s12  }
0xd: {  	s30 =	sshrl.u32 s13, $0x2;
	s13 =	simm.s32 $0x1;
	s8 =	sshrl.u32 s8, $0x3  }
0xe: {  	s9 =	sshrl.u32 s9, $0x3;
	s31 =	sadd.s32 s30, s2;
	s10 =	smax.u32 s10, $0x1  }
0xf: {  	s11 =	sadd.s32 s8, s6;
	s9 =	sadd.s32 s9, s6;
	s6 =	sadd.s32 s7, s8  }
0x10: {  	s8 =	sor.u32 $0x1C03, s18;
	s12 =	sshrl.u32 s31, $0x3;
	s18 =	sor.u32 $0x1C04, s18  }
0x11: {  	s7 =	sadd.s32 $0x4000, s11;
	s9 =	sadd.s32 $0x38800, s9;
	s11 =	simm.s32 $0x2800  }
.LBB2_1:
0x12: {  	[tilespmem:s3], [sflag:$0x1] =	stream.linear.gather [hbm4b:s6+s3], $0x2800, $0x38;
	[tilespmem:$0x1D000] =	vst v63  }
0x13: {  	_ = 	snop  }
0x14: {  	[tilespmem:s11], [sflag:$0x2] =	stream.linear.gather [hbm4b:s7+s3], $0x2800, $0x38;
	[tilespmem:$0x1D000] =	vst v63  }
0x15: {  	[spmem:s12], [sflag:s8] =	dma.local [hbm:s5], $0x2800  }
0x16: {  	_ =	swait.ge [sflag:s13], $0x2800  }
0x17: {  	[sflag:s13] =	ssyncset.done $0x0  }
0x18: {  	[sflag:s13] =	ssyncadd.s32 $0xFFFFD800  }
0x19: {  	_ =	swait.ge [sflag:s14], $0x2800  }
0x1a: {  	[sflag:s14] =	ssyncset.done $0x0  }
0x1b: {  	[sflag:s14] =	ssyncadd.s32 $0xFFFFD800  }
0x1c: {  	_ =	swait.ge [sflag:s15], $0x2800  }
0x1d: {  	[sflag:s15] =	ssyncset.done $0x0  }
0x1e: {  	[sflag:s15] =	ssyncadd.s32 $0xFFFFD800  }
0x1f: {  	s21 =	simm.s32 $0x0;
	[bflag:$0x0] =	sbarrier.arrive $0xFFFF  }
0x20: {  	[tilespmem:s17], [sflag:$0x1] =	stream.indirect.gather [hbm4b:s4+s16], $0x80, s21, s16, $0xb8;
	[tilespmem:$0x1D000] =	vst v63  }
0x21: {  	_ =	swait.ge [sflag:s13], $0x4000  }
0x22: {  	[sflag:s13] =	ssyncset.done $0x0  }
0x23: {  	s31 =	simm.s32 $0x2800;
	[sflag:s13] =	ssyncadd.s32 $0xFFFFC000  }
0x24: {  	[spmem:s2] =	stream.indirect.scatter.add.f32 [tilespmem:s17], [sflag:$0x2], $0x80, s31, s16, $0xb8;
	[tilespmem:$0x1D000] =	vst v63  }
0x25: {  	_ =	swait.ge [sflag:s14], $0x4000  }
0x26: {  	s22 =	simm.s32 $0x400;
	s21 =	simm.s32 $0x200;
	[sflag:s14] =	ssyncset.done $0x0  }
.LBB2_2:
0x27: {  	s23 =	sshra.s32 s21, $0x2  }
0x28: {  	[sflag:s14] =	ssyncadd.s32 $0xFFFFC000;
	s21 =	smov.u32 s22;
	s24 =	sadd.s32 $0x200, s22  }
0x29: {  	[tilespmem:s17], [sflag:$0x1] =	stream.indirect.gather [hbm4b:s4+s16], $0x80, s23, s16, $0xb8;
	[tilespmem:$0x1D000] =	vst v63  }
0x2a: {  	p0 =	sne.s32 s22, $0x9E00;
	_ =	swait.ge [sflag:s13], $0x4000  }
.Ltmp0:
0x2b: {  	[sflag:s13] =	ssyncset.done $0x0;
	(pc) =	sbr.rel @p0 .LBB2_2-.Ltmp0, $4  }
0x2c: {  	s22 =	sadd.s32 $0x2800, s23;
	[sflag:s13] =	ssyncadd.s32 $0xFFFFC000  }
0x2d: {  	[spmem:s2] =	stream.indirect.scatter.add.f32 [tilespmem:s17], [sflag:$0x2], $0x80, s22, s16, $0xb8;
	[tilespmem:$0x1D000] =	vst v63  }
0x2e: {  	_ =	swait.ge [sflag:s14], $0x4000  }
0x2f: {  	s22 =	smov.u32 s24;
	[sflag:s14] =	ssyncset.done $0x0  }
0x30: {  	s21 =	sshra.s32 s21, $0x2;
	[sflag:s14] =	ssyncadd.s32 $0xFFFFC000  }
0x31: {  	[tilespmem:s17], [sflag:$0x1] =	stream.indirect.gather [hbm4b:s4+s16], $0x80, s21, s16, $0xb8;
	[tilespmem:$0x1D000] =	vst v63  }
0x32: {  	_ =	swait.ge [sflag:s13], $0x4000  }
0x33: {  	[sflag:s13] =	ssyncset.done $0x0  }
0x34: {  	s21 =	sadd.s32 $0x2800, s21;
	[sflag:s13] =	ssyncadd.s32 $0xFFFFC000  }
0x35: {  	[spmem:s2] =	stream.indirect.scatter.add.f32 [tilespmem:s17], [sflag:$0x2], $0x80, s21, s16, $0xb8;
	[tilespmem:$0x1D000] =	vst v63  }
0x36: {  	_ =	swait.ge [sflag:s14], $0x4000  }
0x37: {  	s20 =	sadd.s32 $0x1, s20;
	[sflag:s14] =	ssyncset.done $0x0  }
0x38: {  	p0 =	sne.s32 s20, s10;
	[sflag:s14] =	ssyncadd.s32 $0xFFFFC000  }
.Ltmp1:
0x39: {  	[bflag:$0x0] =	sbarrier.arrive $0xFFFF;
	(pc) =	sbr.rel @p0 .LBB2_1-.Ltmp1, $4  }
0x3a: {  	[hbm:s9], [sflag:s18] =	dma.local [spmem:s12], $0x2800  }
0x3b: {  	_ =	swait.ge [sflag:s19], $0x2800  }
0x3c: {  	[sflag:s19] =	ssyncset.done $0x0  }
0x3d: {  	[sflag:s19] =	ssyncadd.s32 $0xFFFFD800  }
0x3e: {  	_ =	sfence.sel $0x180000  }
0x3f: {  	[bflag:$0x0] =	sbarrier.arrive $0xFFFF  }
0x40: {  	p0 =	sne.s32 s0, $0x0;
	_ =	strace $0x9000004A  }
0x41: {  	s0 =	sadd.s32 @!p0 $0x100000, s1;
	[bflag:$0x2] =	sbarrier.arrive $0xFFFF  }
0x42: {  	[sflag:s0] =	ssyncadd.tile.s32 @!p0 $0x1;
	_ =	shalt  }
.Lfunc_end2:
_tile_overlayer_lowered:
.L_overlay_start_2:
0x43: {  	(tag) =	ssettag $0x2  }
0x44: {  	s0 =	rddreg [dreg:$0x0];
	s2 =	stileid.u32  }
0x45: {  	s1 =	rddreg [dreg:$0x1];
	p0 =	sne.s32 s2, $0x0  }
0x46: {  	s3 =	rddreg [dreg:$0x2];
	[bflag:$0x3] =	sbarrier.arrive $0xFFFF;
	s2 =	simm.s32 @!p0 $0x1C04  }
0x47: {  	[timem:s3], [sflag:s2] =	dma.local @!p0 [hbm:s0], s1  }
0x48: {  	s0 =	simm.s32 @!p0 $0x4  }
0x49: {  	_ =	swait.ge @!p0 [sflag:s0], s1  }
0x4a: {  	s1 =	ssub.s32 @!p0 $0x0, s1;
	[sflag:s0] =	ssyncset.done @!p0 $0x0  }
0x4b: {  	[sflag:s0] =	ssyncadd.s32 @!p0 s1  }
0x4c: {  	[bflag:$0x3] =	sbarrier.arrive $0xFFFF  }
0x4d: {  	_ =	shalt  }

// kernel: kernel.16.cloned.1.call-start
scs
__scs_entry_jumppad:
0x0: {  	(pc) =	sbr.rel $0x88, $3  }
0x1: {  	(tag) =	ssettag $0x0;
	lr =	simm.s32 $0x1  }
0x2: {  	[smem:$0x3F95] =	sst lr;
	_ =	strace $0xD0000000  }
0x3: {  	_ = 	snop  }
0x4: {  	_ = 	snop  }
0x5: {  	_ = 	snop  }
0x6: {  	_ = 	snop  }
0x7: {  	_ = 	snop  }
__scs_overlays_trampoline_lowered:
0x8: {  	[smem:$0x3FA4] =	sst s0  }
0x9: {  	[smem:$0x3FA5] =	sst s1  }
0xa: {  	[smem:$0x3FA6] =	sst s2  }
0xb: {  	[smem:$0x3FA7] =	sst s3  }
0xc: {  	[smem:$0x3FA8] =	sst s4  }
0xd: {  	[smem:$0x3FA9] =	sst s5  }
0xe: {  	[smem:$0x3FAA] =	sst s6  }
0xf: {  	[smem:$0x3FAB] =	sst s7  }
0x10: {  	[smem:$0x3FAC] =	sst s8  }
0x11: {  	[smem:$0x3FAD] =	sst s9;
	s0 =	simm.s32 @!p0 $0x0  }
0x12: {  	s1 =	sld [smem:$0x3F93];
	s0 =	simm.s32 @p0 $0x1  }
0x13: {  	[smem:$0x3FAE] =	sst s0;
	s0 =	simm.s32 @!p1 $0x0  }
0x14: {  	s2 =	sld [smem:$0x3F92];
	s0 =	simm.s32 @p1 $0x1  }
0x15: {  	[smem:$0x3FAF] =	sst s0;
	s0 =	simm.s32 @!p2 $0x0  }
0x16: {  	s3 =	sld [smem:$0x3FDB];
	s0 =	simm.s32 @p2 $0x1  }
0x17: {  	s4 =	simm.s32 $0x1BF5;
	[smem:$0x3FB1] =	sst s0  }
0x18: {  	s0 =	sld [smem:$0x3F94];
	_ =	swait.ge [sflag:s4], $0x0  }
0x19: {  	s7 =	sld [smem:$0x3F95]  }
0x1a: {  	s8 =	sadd.s32 $0xFFFFE003, lr  }
0x1b: {  	s9 =	sadd.s32 $0xFFFFFEF7, lr;
	s5 =	simm.s32 $0xFFFFFFFF;
	p2 =	slt.u32 s8, $0xFFFFF086  }
0x1c: {  	p1 =	slt.u32 s9, $0xF7A;
	s5 =	simm.s32 @!p2 $0x0  }
0x1d: {  	s5 =	simm.s32 @p1 $0x1;
	p0 =	seq.s32 s7, s2  }
0x1e: {  	s7 =	smul.u32 @!p0 $0xF7A, s2;
	p2 =	seq.s32 @!p0 s5, $0x0  }
0x1f: {  	s9 =	smul.u32 $0xF7A, s1;
	s8 =	simm.s32 @!p0 $0x1BF5;
	p2 =	por !p2, p0  }
0x20: {  	[sflag:s8] =	ssyncset.s32 @!p0 $0xFFFFF086;
	s6 =	sadd.s32 @!p0 s3, s7;
	s7 =	simm.s32 @!p0 $0x108  }
0x21: {  	s3 =	sadd.s32 s3, s9;
	s6 =	sadd.s32 @!p0 $0x88, s6;
	s7 =	simm.s32 @p2 $0x1082  }
0x22: {  	[simem:s7], [sflag:s8] =	dma.local @!p0 [hbm:s6], $0xF7A  }
0x23: {  	s9 =	sor.u32 $0xD0000000, s2;
	s6 =	simm.s32 $0x108;
	_ =	swait.ge @!p0 [sflag:s8], $0x0  }
0x24: {  	s3 =	sadd.s32 $0x88, s3;
	s6 =	simm.s32 @!p1 $0x1082;
	[sflag:s4] =	ssyncset.s32 $0xFFFFF086  }
0x25: {  	[simem:s6], [sflag:s4] =	dma.local [hbm:s3], $0xF7A  }
0x26: {  	[smem:$0x3F95] =	sst s1;
	(tag) =	ssettag s2;
	_ =	strace s9  }
0x27: {  	s1 =	sld [smem:$0x3FA5]  }
0x28: {  	s2 =	sld [smem:$0x3FA6]  }
0x29: {  	s4 =	sld [smem:$0x3FA8]  }
0x2a: {  	p0 =	seq.s32 s5, $0x0;
	s5 =	sld [smem:$0x3FA9]  }
0x2b: {  	s6 =	sld [smem:$0x3FAA]  }
0x2c: {  	s7 =	sld [smem:$0x3FAB]  }
0x2d: {  	s3 =	simm.s32 $0x108;
	s8 =	sld [smem:$0x3FAC]  }
0x2e: {  	s3 =	simm.s32 @!p0 $0x1082;
	s9 =	sld [smem:$0x3FAD]  }
0x2f: {  	lr =	sadd.s32 s0, s3;
	s0 =	sld [smem:$0x3FA4]  }
0x30: {  	s3 =	sld [smem:$0x3FA7]  }
0x31: {  	[smem:$0x3FB0] =	sst s10  }
0x32: {  	s10 =	sld [smem:$0x3FAE];
	_ =	sdelay $0x3  }
0x33: {  	p0 =	seq.s32 s10, $0x1;
	s10 =	sld [smem:$0x3FB0];
	_ =	sdelay $0x3  }
0x34: {  	[smem:$0x3FB0] =	sst s10  }
0x35: {  	s10 =	sld [smem:$0x3FAF];
	_ =	sdelay $0x3  }
0x36: {  	p1 =	seq.s32 s10, $0x1;
	s10 =	sld [smem:$0x3FB0];
	_ =	sdelay $0x3  }
0x37: {  	[smem:$0x3FB0] =	sst s10  }
0x38: {  	s10 =	sld [smem:$0x3FB1]  }
0x39: {  	_ = 	snop;
	(pc) =	sbr.ind lr, $3  }
0x3a: {  	_ = 	snop  }
0x3b: {  	_ = 	snop  }
0x3c: {  	p2 =	seq.s32 s10, $0x1;
	s10 =	sld [smem:$0x3FB0]  }
0x3d: {  	_ =	shalt  }
0x3e: {  	_ =	shalt  }
0x3f: {  	_ =	shalt  }
0x40: {  	_ =	shalt  }
0x41: {  	_ =	shalt  }
0x42: {  	_ =	shalt  }
0x43: {  	_ =	shalt  }
0x44: {  	_ =	shalt  }
0x45: {  	_ =	shalt  }
0x46: {  	_ =	shalt  }
0x47: {  	_ =	shalt  }
0x48: {  	_ =	shalt  }
0x49: {  	_ =	shalt  }
0x4a: {  	_ =	shalt  }
0x4b: {  	_ =	shalt  }
0x4c: {  	_ =	shalt  }
0x4d: {  	_ =	shalt  }
0x4e: {  	_ =	shalt  }
0x4f: {  	_ =	shalt  }
0x50: {  	_ =	shalt  }
0x51: {  	_ =	shalt  }
0x52: {  	_ =	shalt  }
0x53: {  	_ =	shalt  }
0x54: {  	_ =	shalt  }
0x55: {  	_ =	shalt  }
0x56: {  	_ =	shalt  }
0x57: {  	_ =	shalt  }
0x58: {  	_ =	shalt  }
0x59: {  	_ =	shalt  }
0x5a: {  	_ =	shalt  }
0x5b: {  	_ =	shalt  }
0x5c: {  	_ =	shalt  }
0x5d: {  	_ =	shalt  }
0x5e: {  	_ =	shalt  }
0x5f: {  	_ =	shalt  }
0x60: {  	_ =	shalt  }
0x61: {  	_ =	shalt  }
0x62: {  	_ =	shalt  }
0x63: {  	_ =	shalt  }
0x64: {  	_ =	shalt  }
0x65: {  	_ =	shalt  }
0x66: {  	_ =	shalt  }
0x67: {  	_ =	shalt  }
0x68: {  	_ =	shalt  }
0x69: {  	_ =	shalt  }
0x6a: {  	_ =	shalt  }
0x6b: {  	_ =	shalt  }
0x6c: {  	_ =	shalt  }
0x6d: {  	_ =	shalt  }
0x6e: {  	_ =	shalt  }
0x6f: {  	_ =	shalt  }
0x70: {  	_ =	shalt  }
0x71: {  	_ =	shalt  }
0x72: {  	_ =	shalt  }
0x73: {  	_ =	shalt  }
0x74: {  	_ =	shalt  }
0x75: {  	_ =	shalt  }
0x76: {  	_ =	shalt  }
0x77: {  	_ =	shalt  }
0x78: {  	_ =	shalt  }
0x79: {  	_ =	shalt  }
0x7a: {  	_ =	shalt  }
0x7b: {  	_ =	shalt  }
0x7c: {  	_ =	shalt  }
0x7d: {  	_ =	shalt  }
0x7e: {  	_ =	shalt  }
0x7f: {  	_ =	shalt  }
0x80: {  	_ =	shalt  }
0x81: {  	_ =	shalt  }
0x82: {  	_ =	shalt  }
0x83: {  	_ =	shalt  }
0x84: {  	_ =	shalt  }
0x85: {  	_ =	shalt  }
0x86: {  	_ =	shalt  }
0x87: {  	_ =	shalt  }
.Lfunc_end0:
.L_simem_size_0:
called_computation.2_lowered:
.L_overlay_start_0:
0x88: {  	s2 =	sld [smem:$0x3FD9]  }
0x89: {  	s3 =	sld [smem:$0x3FFE];
	_ =	sdelay $0x1  }
0x8a: {  	s1 =	srdreg.scid  }
0x8b: {  	s0 =	sand.u32 $0x1, s1  }
0x8c: {  	s17 =	sshll.u32 s0, $0xA;
	s2 =	sadd.s32 s3, s2  }
0x8d: {  	s2 =	sadd.s32 s2, s17  }
0x8e: {  	[smem:$0x3FBC] =	sst s2  }
0x8f: {  	_ = 	snop  }
0x90: {  	s2 =	sld [smem:$0x3FD0];
	(tm) =	ssettm $0x1  }
0x91: {  	s18 =	sld [smem:$0x3FFB];
	_ =	sdelay $0x3  }
0x92: {  	_ =	strace s18  }
0x93: {  	s3 =	sld [smem:$0x3FFC];
	_ =	sdelay $0x3  }
0x94: {  	_ =	strace s3  }
0x95: {  	s3 =	sld [smem:$0x3FFD];
	_ =	sdelay $0x3  }
0x96: {  	_ =	strace s3  }
0x97: {  	_ =	strace $0x8FFFFFFF  }
0x98: {  	s19 =	sld [smem:$0x3FDB];
	_ =	sdelay $0x1  }
0x99: {  	s4 =	simm.s32 $_scs_section_size  }
0x9a: {  	s5 =	simm.s32 $_size__tile_overlayer_lowered;
	s6 =	simm.s32 $_tile_overlayer_lowered  }
0x9b: {  	s22 =	simm.s32 $0x1BFF;
	s21 =	sshll.u32 s6, $0x1;
	s3 =	sadd.s32 s4, s19  }
0x9c: {  	s7 =	simm.s32 $0x0;
	s20 =	sshll.u32 s5, $0x1;
	s5 =	sadd.s32 s21, s3  }
0x9d: {  	[timem:s7], [sflag:s22] =	dma.local [hbm:s5], s20  }
0x9e: {  	_ =	swait.ge [sflag:s22], s20  }
0x9f: {  	s4 =	ssub.s32 $0x0, s20;
	[sflag:s22] =	ssyncset.done $0x0  }
0xa0: {  	[sflag:s22] =	ssyncadd.s32 s4;
	_ =	sdelay $0x1  }
0xa1: {  	s23 =	simm.s32 $0x1B8B  }
0xa2: {  	_ =	swait.ge [sflag:s23], $0x1  }
0xa3: {  	[sflag:s23] =	ssyncset.done $0x0  }
0xa4: {  	s25 =	simm.s32 $0x1B8E;
	s24 =	sld [smem:$0x3FFE];
	[sflag:s23] =	ssyncadd.s32 $0xFFFFFFFF  }
0xa5: {  	s26 =	simm.s32 $execute0_lowered;
	[smem:$0x3FD2] =	sst s25  }
0xa6: {  	s5 =	sshll.u32 s26, $0x1;
	_ =	strace $0x8000004C;
	[dreg:$0x1] =	wrdreg $0xFFFFFFFF  }
0xa7: {  	s28 =	simm.s32 $_size_execute0_lowered;
	s3 =	sadd.s32 s3, s5;
	[dreg:$0x0] =	wrdreg $0x0  }
0xa8: {  	s5 =	sshll.u32 s28, $0x1;
	[dreg:$0x2] =	wrdreg s3  }
0xa9: {  	[dreg:$0x3] =	wrdreg s5  }
0xaa: {  	[dreg:$0x4] =	wrdreg $0xC0  }
0xab: {  	_ =	task [dreg:s7], $0x5FFFF  }
0xac: {  	[dreg:$0x1] =	wrdreg $0xFFFFFFFF  }
0xad: {  	[dreg:$0x0] =	wrdreg $0x60  }
0xae: {  	[dreg:$0x2] =	wrdreg s24  }
0xaf: {  	[dreg:$0x3] =	wrdreg s2  }
0xb0: {  	[dreg:$0x4] =	wrdreg $0x90000  }
0xb1: {  	[dreg:$0x5] =	wrdreg $0x9  }
0xb2: {  	_ =	task.clear_ibuf [dreg:s7], $0x6FFFF;
	_ =	strace $0x9000004C  }
0xb3: {  	s29 =	simm.s32 $0x9;
	_ =	strace $0x8000004E  }
0xb4: {  	_ =	swait.ge [sflag:s29], $0x1  }
0xb5: {  	[sflag:s29] =	ssyncadd.s32 $0xFFFFFFFF  }
0xb6: {  	_ =	strace $0x9000004E  }
0xb7: {  	_ =	sfence  }
0xb8: {  	s30 =	sld [smem:$0x0];
	_ =	sdelay $0x2  }
0xb9: {  	s31 =	sshll.u32 s1, $0xD;
	s1 =	sshrl.u32 s1, $0x2  }
0xba: {  	s3 =	sand.u32 $0x4000, s31;
	s1 =	sadd.s32 s1, s30  }
0xbb: {  	s0 =	sor.u32 s3, s0;
	s1 =	sshll.u32 s1, $0x11  }
0xbc: {  	s0 =	sor.u32 s1, s0  }
0xbd: {  	s0 =	sadd.s32 $0x8F2B, s0  }
0xbe: {  	[sflag:s0] =	ssyncadd.remote.s32 $0x1  }
0xbf: {  	_ =	sfence.sel $0xFFFF  }
0xc0: {  	[dreg:$0x0] =	wrdreg $0xFFFFFFFF;
	(pc) =	sbr.abs _section_cstart, $3  }
0xc1: {  	[dreg:$0x1] =	wrdreg $0xFFFFFFFF  }
0xc2: {  	_ =	task.clear_ibuf [dreg:s7], $0x2FFFF;
	_ =	strace $0x9FFFFFFF  }
0xc3: {  	(tm) =	ssettm $0x7FFFFFFF  }
tec
execute0_lowered:
.L_overlay_start_1:
0x0: {  	(tag) =	ssettag $0x1  }
0x1: {  	s6 =	rddreg [dreg:$0x0]  }
0x2: {  	s7 =	rddreg [dreg:$0x1]  }
0x3: {  	s2 =	rddreg [dreg:$0x2]  }
0x4: {  	s0 =	srdreg.scid;
	s1 =	rddreg [dreg:$0x3]  }
0x5: {  	s3 =	simm.s32 $0x0;
	s14 =	simm.s32 $0x2;
	s5 =	sand.u32 $0x1, s0  }
0x6: {  	s15 =	simm.s32 $0x3;
	s0 =	stileid.u32;
	s4 =	smul.u32 $0x28000, s5  }
0x7: {  	s16 =	simm.s32 $0x80;
	s17 =	simm.s32 $0x5000;
	s8 =	smul.u32 $0x2800, s0  }
0x8: {  	s19 =	simm.s32 $0x4;
	[smem:$0x7FF] =	sst s3;
	s9 =	smul.u32 $0x140000, s5  }
0x9: {  	s20 =	simm.s32 $0x0;
	s10 =	smul.u32 $0x14000, s0;
	_ =	strace $0x8000004D  }
0xa: {  	s29 =	ssub.s32 $0x2, s5;
	s13 =	smul.u32 $0x50000, s0;
	s5 =	sadd.s32 $0x36000, s6  }
0xb: {  	s18 =	sshll.u32 s0, $0x6;
	s12 =	sshrl.u32 s29, $0x1;
	s8 =	sadd.s32 s8, s4  }
0xc: {  	s4 =	sadd.s32 $0xE000, s6;
	s9 =	sadd.s32 s10, s9;
	s10 =	ssub.s32 s29, s12  }
0xd: {  	s30 =	sshrl.u32 s13, $0x2;
	s13 =	simm.s32 $0x1;
	s8 =	sshrl.u32 s8, $0x3  }
0xe: {  	s9 =	sshrl.u32 s9, $0x3;
	s31 =	sadd.s32 s30, s2;
	s10 =	smax.u32 s10, $0x1  }
0xf: {  	s11 =	sadd.s32 s8, s6;
	s9 =	sadd.s32 s9, s6;
	s6 =	sadd.s32 s7, s8  }
0x10: {  	s8 =	sor.u32 $0x1C03, s18;
	s12 =	sshrl.u32 s31, $0x3;
	s18 =	sor.u32 $0x1C04, s18  }
0x11: {  	s7 =	sadd.s32 $0x4000, s11;
	s9 =	sadd.s32 $0x38800, s9;
	s11 =	simm.s32 $0x2800  }
.LBB2_1:
0x12: {  	[tilespmem:s3], [sflag:$0x1] =	stream.linear.gather [hbm4b:s6+s3], $0x2800, $0x38;
	[tilespmem:$0x1D000] =	vst v63  }
0x13: {  	_ = 	snop  }
0x14: {  	[tilespmem:s11], [sflag:$0x2] =	stream.linear.gather [hbm4b:s7+s3], $0x2800, $0x38;
	[tilespmem:$0x1D000] =	vst v63  }
0x15: {  	[spmem:s12], [sflag:s8] =	dma.local [hbm:s5], $0x2800  }
0x16: {  	_ =	swait.ge [sflag:s13], $0x2800  }
0x17: {  	[sflag:s13] =	ssyncset.done $0x0  }
0x18: {  	[sflag:s13] =	ssyncadd.s32 $0xFFFFD800  }
0x19: {  	_ =	swait.ge [sflag:s14], $0x2800  }
0x1a: {  	[sflag:s14] =	ssyncset.done $0x0  }
0x1b: {  	[sflag:s14] =	ssyncadd.s32 $0xFFFFD800  }
0x1c: {  	_ =	swait.ge [sflag:s15], $0x2800  }
0x1d: {  	[sflag:s15] =	ssyncset.done $0x0  }
0x1e: {  	[sflag:s15] =	ssyncadd.s32 $0xFFFFD800  }
0x1f: {  	s21 =	simm.s32 $0x0;
	[bflag:$0x0] =	sbarrier.arrive $0xFFFF  }
0x20: {  	[tilespmem:s17], [sflag:$0x1] =	stream.indirect.gather [hbm4b:s4+s16], $0x80, s21, s16, $0xb8;
	[tilespmem:$0x1D000] =	vst v63  }
0x21: {  	_ =	swait.ge [sflag:s13], $0x4000  }
0x22: {  	[sflag:s13] =	ssyncset.done $0x0  }
0x23: {  	s31 =	simm.s32 $0x2800;
	[sflag:s13] =	ssyncadd.s32 $0xFFFFC000  }
0x24: {  	[spmem:s2] =	stream.indirect.scatter.add.f32 [tilespmem:s17], [sflag:$0x2], $0x80, s31, s16, $0xb8;
	[tilespmem:$0x1D000] =	vst v63  }
0x25: {  	_ =	swait.ge [sflag:s14], $0x4000  }
0x26: {  	s22 =	simm.s32 $0x400;
	s21 =	simm.s32 $0x200;
	[sflag:s14] =	ssyncset.done $0x0  }
.LBB2_2:
0x27: {  	s23 =	sshra.s32 s21, $0x2  }
0x28: {  	[sflag:s14] =	ssyncadd.s32 $0xFFFFC000;
	s21 =	smov.u32 s22;
	s24 =	sadd.s32 $0x200, s22  }
0x29: {  	[tilespmem:s17], [sflag:$0x1] =	stream.indirect.gather [hbm4b:s4+s16], $0x80, s23, s16, $0xb8;
	[tilespmem:$0x1D000] =	vst v63  }
0x2a: {  	p0 =	sne.s32 s22, $0x9E00;
	_ =	swait.ge [sflag:s13], $0x4000  }
.Ltmp0:
0x2b: {  	[sflag:s13] =	ssyncset.done $0x0;
	(pc) =	sbr.rel @p0 .LBB2_2-.Ltmp0, $4  }
0x2c: {  	s22 =	sadd.s32 $0x2800, s23;
	[sflag:s13] =	ssyncadd.s32 $0xFFFFC000  }
0x2d: {  	[spmem:s2] =	stream.indirect.scatter.add.f32 [tilespmem:s17], [sflag:$0x2], $0x80, s22, s16, $0xb8;
	[tilespmem:$0x1D000] =	vst v63  }
0x2e: {  	_ =	swait.ge [sflag:s14], $0x4000  }
0x2f: {  	s22 =	smov.u32 s24;
	[sflag:s14] =	ssyncset.done $0x0  }
0x30: {  	s21 =	sshra.s32 s21, $0x2;
	[sflag:s14] =	ssyncadd.s32 $0xFFFFC000  }
0x31: {  	[tilespmem:s17], [sflag:$0x1] =	stream.indirect.gather [hbm4b:s4+s16], $0x80, s21, s16, $0xb8;
	[tilespmem:$0x1D000] =	vst v63  }
0x32: {  	_ =	swait.ge [sflag:s13], $0x4000  }
0x33: {  	[sflag:s13] =	ssyncset.done $0x0  }
0x34: {  	s21 =	sadd.s32 $0x2800, s21;
	[sflag:s13] =	ssyncadd.s32 $0xFFFFC000  }
0x35: {  	[spmem:s2] =	stream.indirect.scatter.add.f32 [tilespmem:s17], [sflag:$0x2], $0x80, s21, s16, $0xb8;
	[tilespmem:$0x1D000] =	vst v63  }
0x36: {  	_ =	swait.ge [sflag:s14], $0x4000  }
0x37: {  	s20 =	sadd.s32 $0x1, s20;
	[sflag:s14] =	ssyncset.done $0x0  }
0x38: {  	p0 =	sne.s32 s20, s10;
	[sflag:s14] =	ssyncadd.s32 $0xFFFFC000  }
.Ltmp1:
0x39: {  	[bflag:$0x0] =	sbarrier.arrive $0xFFFF;
	(pc) =	sbr.rel @p0 .LBB2_1-.Ltmp1, $4  }
0x3a: {  	[hbm:s9], [sflag:s18] =	dma.local [spmem:s12], $0x2800  }
0x3b: {  	_ =	swait.ge [sflag:s19], $0x2800  }
0x3c: {  	[sflag:s19] =	ssyncset.done $0x0  }
0x3d: {  	[sflag:s19] =	ssyncadd.s32 $0xFFFFD800  }
0x3e: {  	_ =	sfence.sel $0x180000  }
0x3f: {  	[bflag:$0x0] =	sbarrier.arrive $0xFFFF  }
0x40: {  	p0 =	sne.s32 s0, $0x0;
	_ =	strace $0x9000004D  }
0x41: {  	s0 =	sadd.s32 @!p0 $0x100000, s1;
	[bflag:$0x2] =	sbarrier.arrive $0xFFFF  }
0x42: {  	[sflag:s0] =	ssyncadd.tile.s32 @!p0 $0x1;
	_ =	shalt  }
.Lfunc_end2:
_tile_overlayer_lowered:
.L_overlay_start_2:
0x43: {  	(tag) =	ssettag $0x2  }
0x44: {  	s0 =	rddreg [dreg:$0x0];
	s2 =	stileid.u32  }
0x45: {  	s1 =	rddreg [dreg:$0x1];
	p0 =	sne.s32 s2, $0x0  }
0x46: {  	s3 =	rddreg [dreg:$0x2];
	[bflag:$0x3] =	sbarrier.arrive $0xFFFF;
	s2 =	simm.s32 @!p0 $0x1C04  }
0x47: {  	[timem:s3], [sflag:s2] =	dma.local @!p0 [hbm:s0], s1  }
0x48: {  	s0 =	simm.s32 @!p0 $0x4  }
0x49: {  	_ =	swait.ge @!p0 [sflag:s0], s1  }
0x4a: {  	s1 =	ssub.s32 @!p0 $0x0, s1;
	[sflag:s0] =	ssyncset.done @!p0 $0x0  }
0x4b: {  	[sflag:s0] =	ssyncadd.s32 @!p0 s1  }
0x4c: {  	[bflag:$0x3] =	sbarrier.arrive $0xFFFF  }
0x4d: {  	_ =	shalt  }

// kernel: kernel.19.cloned.1.call-start
scs
__scs_entry_jumppad:
0x0: {  	(pc) =	sbr.rel $0x88, $3  }
0x1: {  	(tag) =	ssettag $0x0;
	lr =	simm.s32 $0x1  }
0x2: {  	[smem:$0x3F95] =	sst lr;
	_ =	strace $0xD0000000  }
0x3: {  	_ = 	snop  }
0x4: {  	_ = 	snop  }
0x5: {  	_ = 	snop  }
0x6: {  	_ = 	snop  }
0x7: {  	_ = 	snop  }
__scs_overlays_trampoline_lowered:
0x8: {  	[smem:$0x3FA4] =	sst s0  }
0x9: {  	[smem:$0x3FA5] =	sst s1  }
0xa: {  	[smem:$0x3FA6] =	sst s2  }
0xb: {  	[smem:$0x3FA7] =	sst s3  }
0xc: {  	[smem:$0x3FA8] =	sst s4  }
0xd: {  	[smem:$0x3FA9] =	sst s5  }
0xe: {  	[smem:$0x3FAA] =	sst s6  }
0xf: {  	[smem:$0x3FAB] =	sst s7  }
0x10: {  	[smem:$0x3FAC] =	sst s8  }
0x11: {  	[smem:$0x3FAD] =	sst s9;
	s0 =	simm.s32 @!p0 $0x0  }
0x12: {  	s1 =	sld [smem:$0x3F93];
	s0 =	simm.s32 @p0 $0x1  }
0x13: {  	[smem:$0x3FAE] =	sst s0;
	s0 =	simm.s32 @!p1 $0x0  }
0x14: {  	s2 =	sld [smem:$0x3F92];
	s0 =	simm.s32 @p1 $0x1  }
0x15: {  	[smem:$0x3FAF] =	sst s0;
	s0 =	simm.s32 @!p2 $0x0  }
0x16: {  	s3 =	sld [smem:$0x3FDB];
	s0 =	simm.s32 @p2 $0x1  }
0x17: {  	s4 =	simm.s32 $0x1BF5;
	[smem:$0x3FB1] =	sst s0  }
0x18: {  	s0 =	sld [smem:$0x3F94];
	_ =	swait.ge [sflag:s4], $0x0  }
0x19: {  	s7 =	sld [smem:$0x3F95]  }
0x1a: {  	s8 =	sadd.s32 $0xFFFFE003, lr  }
0x1b: {  	s9 =	sadd.s32 $0xFFFFFEF7, lr;
	s5 =	simm.s32 $0xFFFFFFFF;
	p2 =	slt.u32 s8, $0xFFFFF086  }
0x1c: {  	p1 =	slt.u32 s9, $0xF7A;
	s5 =	simm.s32 @!p2 $0x0  }
0x1d: {  	s5 =	simm.s32 @p1 $0x1;
	p0 =	seq.s32 s7, s2  }
0x1e: {  	s7 =	smul.u32 @!p0 $0xF7A, s2;
	p2 =	seq.s32 @!p0 s5, $0x0  }
0x1f: {  	s9 =	smul.u32 $0xF7A, s1;
	s8 =	simm.s32 @!p0 $0x1BF5;
	p2 =	por !p2, p0  }
0x20: {  	[sflag:s8] =	ssyncset.s32 @!p0 $0xFFFFF086;
	s6 =	sadd.s32 @!p0 s3, s7;
	s7 =	simm.s32 @!p0 $0x108  }
0x21: {  	s3 =	sadd.s32 s3, s9;
	s6 =	sadd.s32 @!p0 $0x88, s6;
	s7 =	simm.s32 @p2 $0x1082  }
0x22: {  	[simem:s7], [sflag:s8] =	dma.local @!p0 [hbm:s6], $0xF7A  }
0x23: {  	s9 =	sor.u32 $0xD0000000, s2;
	s6 =	simm.s32 $0x108;
	_ =	swait.ge @!p0 [sflag:s8], $0x0  }
0x24: {  	s3 =	sadd.s32 $0x88, s3;
	s6 =	simm.s32 @!p1 $0x1082;
	[sflag:s4] =	ssyncset.s32 $0xFFFFF086  }
0x25: {  	[simem:s6], [sflag:s4] =	dma.local [hbm:s3], $0xF7A  }
0x26: {  	[smem:$0x3F95] =	sst s1;
	(tag) =	ssettag s2;
	_ =	strace s9  }
0x27: {  	s1 =	sld [smem:$0x3FA5]  }
0x28: {  	s2 =	sld [smem:$0x3FA6]  }
0x29: {  	s4 =	sld [smem:$0x3FA8]  }
0x2a: {  	p0 =	seq.s32 s5, $0x0;
	s5 =	sld [smem:$0x3FA9]  }
0x2b: {  	s6 =	sld [smem:$0x3FAA]  }
0x2c: {  	s7 =	sld [smem:$0x3FAB]  }
0x2d: {  	s3 =	simm.s32 $0x108;
	s8 =	sld [smem:$0x3FAC]  }
0x2e: {  	s3 =	simm.s32 @!p0 $0x1082;
	s9 =	sld [smem:$0x3FAD]  }
0x2f: {  	lr =	sadd.s32 s0, s3;
	s0 =	sld [smem:$0x3FA4]  }
0x30: {  	s3 =	sld [smem:$0x3FA7]  }
0x31: {  	[smem:$0x3FB0] =	sst s10  }
0x32: {  	s10 =	sld [smem:$0x3FAE];
	_ =	sdelay $0x3  }
0x33: {  	p0 =	seq.s32 s10, $0x1;
	s10 =	sld [smem:$0x3FB0];
	_ =	sdelay $0x3  }
0x34: {  	[smem:$0x3FB0] =	sst s10  }
0x35: {  	s10 =	sld [smem:$0x3FAF];
	_ =	sdelay $0x3  }
0x36: {  	p1 =	seq.s32 s10, $0x1;
	s10 =	sld [smem:$0x3FB0];
	_ =	sdelay $0x3  }
0x37: {  	[smem:$0x3FB0] =	sst s10  }
0x38: {  	s10 =	sld [smem:$0x3FB1]  }
0x39: {  	_ = 	snop;
	(pc) =	sbr.ind lr, $3  }
0x3a: {  	_ = 	snop  }
0x3b: {  	_ = 	snop  }
0x3c: {  	p2 =	seq.s32 s10, $0x1;
	s10 =	sld [smem:$0x3FB0]  }
0x3d: {  	_ =	shalt  }
0x3e: {  	_ =	shalt  }
0x3f: {  	_ =	shalt  }
0x40: {  	_ =	shalt  }
0x41: {  	_ =	shalt  }
0x42: {  	_ =	shalt  }
0x43: {  	_ =	shalt  }
0x44: {  	_ =	shalt  }
0x45: {  	_ =	shalt  }
0x46: {  	_ =	shalt  }
0x47: {  	_ =	shalt  }
0x48: {  	_ =	shalt  }
0x49: {  	_ =	shalt  }
0x4a: {  	_ =	shalt  }
0x4b: {  	_ =	shalt  }
0x4c: {  	_ =	shalt  }
0x4d: {  	_ =	shalt  }
0x4e: {  	_ =	shalt  }
0x4f: {  	_ =	shalt  }
0x50: {  	_ =	shalt  }
0x51: {  	_ =	shalt  }
0x52: {  	_ =	shalt  }
0x53: {  	_ =	shalt  }
0x54: {  	_ =	shalt  }
0x55: {  	_ =	shalt  }
0x56: {  	_ =	shalt  }
0x57: {  	_ =	shalt  }
0x58: {  	_ =	shalt  }
0x59: {  	_ =	shalt  }
0x5a: {  	_ =	shalt  }
0x5b: {  	_ =	shalt  }
0x5c: {  	_ =	shalt  }
0x5d: {  	_ =	shalt  }
0x5e: {  	_ =	shalt  }
0x5f: {  	_ =	shalt  }
0x60: {  	_ =	shalt  }
0x61: {  	_ =	shalt  }
0x62: {  	_ =	shalt  }
0x63: {  	_ =	shalt  }
0x64: {  	_ =	shalt  }
0x65: {  	_ =	shalt  }
0x66: {  	_ =	shalt  }
0x67: {  	_ =	shalt  }
0x68: {  	_ =	shalt  }
0x69: {  	_ =	shalt  }
0x6a: {  	_ =	shalt  }
0x6b: {  	_ =	shalt  }
0x6c: {  	_ =	shalt  }
0x6d: {  	_ =	shalt  }
0x6e: {  	_ =	shalt  }
0x6f: {  	_ =	shalt  }
0x70: {  	_ =	shalt  }
0x71: {  	_ =	shalt  }
0x72: {  	_ =	shalt  }
0x73: {  	_ =	shalt  }
0x74: {  	_ =	shalt  }
0x75: {  	_ =	shalt  }
0x76: {  	_ =	shalt  }
0x77: {  	_ =	shalt  }
0x78: {  	_ =	shalt  }
0x79: {  	_ =	shalt  }
0x7a: {  	_ =	shalt  }
0x7b: {  	_ =	shalt  }
0x7c: {  	_ =	shalt  }
0x7d: {  	_ =	shalt  }
0x7e: {  	_ =	shalt  }
0x7f: {  	_ =	shalt  }
0x80: {  	_ =	shalt  }
0x81: {  	_ =	shalt  }
0x82: {  	_ =	shalt  }
0x83: {  	_ =	shalt  }
0x84: {  	_ =	shalt  }
0x85: {  	_ =	shalt  }
0x86: {  	_ =	shalt  }
0x87: {  	_ =	shalt  }
.Lfunc_end0:
.L_simem_size_0:
called_computation.3_lowered:
.L_overlay_start_0:
0x88: {  	s2 =	sld [smem:$0x3FD9]  }
0x89: {  	s3 =	sld [smem:$0x3FFE];
	_ =	sdelay $0x1  }
0x8a: {  	s1 =	srdreg.scid  }
0x8b: {  	s0 =	sand.u32 $0x1, s1  }
0x8c: {  	s17 =	sshll.u32 s0, $0xA;
	s2 =	sadd.s32 s3, s2  }
0x8d: {  	s2 =	sadd.s32 s2, s17  }
0x8e: {  	[smem:$0x3FBC] =	sst s2  }
0x8f: {  	_ = 	snop  }
0x90: {  	s2 =	sld [smem:$0x3FD0];
	(tm) =	ssettm $0x1  }
0x91: {  	s18 =	sld [smem:$0x3FFB];
	_ =	sdelay $0x3  }
0x92: {  	_ =	strace s18  }
0x93: {  	s3 =	sld [smem:$0x3FFC];
	_ =	sdelay $0x3  }
0x94: {  	_ =	strace s3  }
0x95: {  	s3 =	sld [smem:$0x3FFD];
	_ =	sdelay $0x3  }
0x96: {  	_ =	strace s3  }
0x97: {  	_ =	strace $0x8FFFFFFF  }
0x98: {  	s19 =	sld [smem:$0x3FDB];
	_ =	sdelay $0x1  }
0x99: {  	s4 =	simm.s32 $_scs_section_size  }
0x9a: {  	s5 =	simm.s32 $_size__tile_overlayer_lowered;
	s6 =	simm.s32 $_tile_overlayer_lowered  }
0x9b: {  	s22 =	simm.s32 $0x1BFF;
	s21 =	sshll.u32 s6, $0x1;
	s3 =	sadd.s32 s4, s19  }
0x9c: {  	s7 =	simm.s32 $0x0;
	s20 =	sshll.u32 s5, $0x1;
	s5 =	sadd.s32 s21, s3  }
0x9d: {  	[timem:s7], [sflag:s22] =	dma.local [hbm:s5], s20  }
0x9e: {  	_ =	swait.ge [sflag:s22], s20  }
0x9f: {  	s4 =	ssub.s32 $0x0, s20;
	[sflag:s22] =	ssyncset.done $0x0  }
0xa0: {  	[sflag:s22] =	ssyncadd.s32 s4;
	_ =	sdelay $0x1  }
0xa1: {  	s23 =	simm.s32 $0x1B8B  }
0xa2: {  	_ =	swait.ge [sflag:s23], $0x1  }
0xa3: {  	[sflag:s23] =	ssyncset.done $0x0  }
0xa4: {  	s25 =	simm.s32 $0x1B8E;
	s24 =	sld [smem:$0x3FFE];
	[sflag:s23] =	ssyncadd.s32 $0xFFFFFFFF  }
0xa5: {  	s26 =	simm.s32 $execute0_lowered;
	[smem:$0x3FD2] =	sst s25  }
0xa6: {  	s5 =	sshll.u32 s26, $0x1;
	_ =	strace $0x8000004F;
	[dreg:$0x1] =	wrdreg $0xFFFFFFFF  }
0xa7: {  	s28 =	simm.s32 $_size_execute0_lowered;
	s3 =	sadd.s32 s3, s5;
	[dreg:$0x0] =	wrdreg $0x0  }
0xa8: {  	s5 =	sshll.u32 s28, $0x1;
	[dreg:$0x2] =	wrdreg s3  }
0xa9: {  	[dreg:$0x3] =	wrdreg s5  }
0xaa: {  	[dreg:$0x4] =	wrdreg $0xC0  }
0xab: {  	_ =	task [dreg:s7], $0x5FFFF  }
0xac: {  	[dreg:$0x1] =	wrdreg $0xFFFFFFFF  }
0xad: {  	[dreg:$0x0] =	wrdreg $0x60  }
0xae: {  	[dreg:$0x2] =	wrdreg s24  }
0xaf: {  	[dreg:$0x3] =	wrdreg s2  }
0xb0: {  	[dreg:$0x4] =	wrdreg $0x90000  }
0xb1: {  	[dreg:$0x5] =	wrdreg $0x9  }
0xb2: {  	_ =	task.clear_ibuf [dreg:s7], $0x6FFFF;
	_ =	strace $0x9000004F  }
0xb3: {  	s29 =	simm.s32 $0x9;
	_ =	strace $0x80000051  }
0xb4: {  	_ =	swait.ge [sflag:s29], $0x1  }
0xb5: {  	[sflag:s29] =	ssyncadd.s32 $0xFFFFFFFF  }
0xb6: {  	_ =	strace $0x90000051  }
0xb7: {  	_ =	sfence  }
0xb8: {  	s30 =	sld [smem:$0x0];
	_ =	sdelay $0x2  }
0xb9: {  	s31 =	sshll.u32 s1, $0xD;
	s1 =	sshrl.u32 s1, $0x2  }
0xba: {  	s3 =	sand.u32 $0x4000, s31;
	s1 =	sadd.s32 s1, s30  }
0xbb: {  	s0 =	sor.u32 s3, s0;
	s1 =	sshll.u32 s1, $0x11  }
0xbc: {  	s0 =	sor.u32 s1, s0  }
0xbd: {  	s0 =	sadd.s32 $0x8F2B, s0  }
0xbe: {  	[sflag:s0] =	ssyncadd.remote.s32 $0x1  }
0xbf: {  	_ =	sfence.sel $0xFFFF  }
0xc0: {  	[dreg:$0x0] =	wrdreg $0xFFFFFFFF;
	(pc) =	sbr.abs _section_cstart, $3  }
0xc1: {  	[dreg:$0x1] =	wrdreg $0xFFFFFFFF  }
0xc2: {  	_ =	task.clear_ibuf [dreg:s7], $0x2FFFF;
	_ =	strace $0x9FFFFFFF  }
0xc3: {  	(tm) =	ssettm $0x7FFFFFFF  }
tec
execute0_lowered:
.L_overlay_start_1:
0x0: {  	(tag) =	ssettag $0x1  }
0x1: {  	s6 =	rddreg [dreg:$0x0]  }
0x2: {  	s7 =	rddreg [dreg:$0x1]  }
0x3: {  	s2 =	rddreg [dreg:$0x2]  }
0x4: {  	s0 =	srdreg.scid;
	s1 =	rddreg [dreg:$0x3]  }
0x5: {  	s3 =	simm.s32 $0x0;
	s14 =	simm.s32 $0x2;
	s5 =	sand.u32 $0x1, s0  }
0x6: {  	s15 =	simm.s32 $0x3;
	s0 =	stileid.u32;
	s4 =	smul.u32 $0x28000, s5  }
0x7: {  	s16 =	simm.s32 $0x80;
	s17 =	simm.s32 $0x5000;
	s8 =	smul.u32 $0x2800, s0  }
0x8: {  	s19 =	simm.s32 $0x4;
	[smem:$0x7FF] =	sst s3;
	s9 =	smul.u32 $0x140000, s5  }
0x9: {  	s20 =	simm.s32 $0x0;
	s10 =	smul.u32 $0x14000, s0;
	_ =	strace $0x80000050  }
0xa: {  	s29 =	ssub.s32 $0x2, s5;
	s13 =	smul.u32 $0x50000, s0;
	s5 =	sadd.s32 $0x36000, s6  }
0xb: {  	s18 =	sshll.u32 s0, $0x6;
	s12 =	sshrl.u32 s29, $0x1;
	s8 =	sadd.s32 s8, s4  }
0xc: {  	s4 =	sadd.s32 $0xE000, s6;
	s9 =	sadd.s32 s10, s9;
	s10 =	ssub.s32 s29, s12  }
0xd: {  	s30 =	sshrl.u32 s13, $0x2;
	s13 =	simm.s32 $0x1;
	s8 =	sshrl.u32 s8, $0x3  }
0xe: {  	s9 =	sshrl.u32 s9, $0x3;
	s31 =	sadd.s32 s30, s2;
	s10 =	smax.u32 s10, $0x1  }
0xf: {  	s11 =	sadd.s32 s8, s6;
	s9 =	sadd.s32 s9, s6;
	s6 =	sadd.s32 s7, s8  }
0x10: {  	s8 =	sor.u32 $0x1C03, s18;
	s12 =	sshrl.u32 s31, $0x3;
	s18 =	sor.u32 $0x1C04, s18  }
0x11: {  	s7 =	sadd.s32 $0x4000, s11;
	s9 =	sadd.s32 $0x38800, s9;
	s11 =	simm.s32 $0x2800  }
.LBB2_1:
0x12: {  	[tilespmem:s3], [sflag:$0x1] =	stream.linear.gather [hbm4b:s6+s3], $0x2800, $0x38;
	[tilespmem:$0x1D000] =	vst v63  }
0x13: {  	_ = 	snop  }
0x14: {  	[tilespmem:s11], [sflag:$0x2] =	stream.linear.gather [hbm4b:s7+s3], $0x2800, $0x38;
	[tilespmem:$0x1D000] =	vst v63  }
0x15: {  	[spmem:s12], [sflag:s8] =	dma.local [hbm:s5], $0x2800  }
0x16: {  	_ =	swait.ge [sflag:s13], $0x2800  }
0x17: {  	[sflag:s13] =	ssyncset.done $0x0  }
0x18: {  	[sflag:s13] =	ssyncadd.s32 $0xFFFFD800  }
0x19: {  	_ =	swait.ge [sflag:s14], $0x2800  }
0x1a: {  	[sflag:s14] =	ssyncset.done $0x0  }
0x1b: {  	[sflag:s14] =	ssyncadd.s32 $0xFFFFD800  }
0x1c: {  	_ =	swait.ge [sflag:s15], $0x2800  }
0x1d: {  	[sflag:s15] =	ssyncset.done $0x0  }
0x1e: {  	[sflag:s15] =	ssyncadd.s32 $0xFFFFD800  }
0x1f: {  	s21 =	simm.s32 $0x0;
	[bflag:$0x0] =	sbarrier.arrive $0xFFFF  }
0x20: {  	[tilespmem:s17], [sflag:$0x1] =	stream.indirect.gather [hbm4b:s4+s16], $0x80, s21, s16, $0xb8;
	[tilespmem:$0x1D000] =	vst v63  }
0x21: {  	_ =	swait.ge [sflag:s13], $0x4000  }
0x22: {  	[sflag:s13] =	ssyncset.done $0x0  }
0x23: {  	s31 =	simm.s32 $0x2800;
	[sflag:s13] =	ssyncadd.s32 $0xFFFFC000  }
0x24: {  	[spmem:s2] =	stream.indirect.scatter.add.f32 [tilespmem:s17], [sflag:$0x2], $0x80, s31, s16, $0xb8;
	[tilespmem:$0x1D000] =	vst v63  }
0x25: {  	_ =	swait.ge [sflag:s14], $0x4000  }
0x26: {  	s22 =	simm.s32 $0x400;
	s21 =	simm.s32 $0x200;
	[sflag:s14] =	ssyncset.done $0x0  }
.LBB2_2:
0x27: {  	s23 =	sshra.s32 s21, $0x2  }
0x28: {  	[sflag:s14] =	ssyncadd.s32 $0xFFFFC000;
	s21 =	smov.u32 s22;
	s24 =	sadd.s32 $0x200, s22  }
0x29: {  	[tilespmem:s17], [sflag:$0x1] =	stream.indirect.gather [hbm4b:s4+s16], $0x80, s23, s16, $0xb8;
	[tilespmem:$0x1D000] =	vst v63  }
0x2a: {  	p0 =	sne.s32 s22, $0x9E00;
	_ =	swait.ge [sflag:s13], $0x4000  }
.Ltmp0:
0x2b: {  	[sflag:s13] =	ssyncset.done $0x0;
	(pc) =	sbr.rel @p0 .LBB2_2-.Ltmp0, $4  }
0x2c: {  	s22 =	sadd.s32 $0x2800, s23;
	[sflag:s13] =	ssyncadd.s32 $0xFFFFC000  }
0x2d: {  	[spmem:s2] =	stream.indirect.scatter.add.f32 [tilespmem:s17], [sflag:$0x2], $0x80, s22, s16, $0xb8;
	[tilespmem:$0x1D000] =	vst v63  }
0x2e: {  	_ =	swait.ge [sflag:s14], $0x4000  }
0x2f: {  	s22 =	smov.u32 s24;
	[sflag:s14] =	ssyncset.done $0x0  }
0x30: {  	s21 =	sshra.s32 s21, $0x2;
	[sflag:s14] =	ssyncadd.s32 $0xFFFFC000  }
0x31: {  	[tilespmem:s17], [sflag:$0x1] =	stream.indirect.gather [hbm4b:s4+s16], $0x80, s21, s16, $0xb8;
	[tilespmem:$0x1D000] =	vst v63  }
0x32: {  	_ =	swait.ge [sflag:s13], $0x4000  }
0x33: {  	[sflag:s13] =	ssyncset.done $0x0  }
0x34: {  	s21 =	sadd.s32 $0x2800, s21;
	[sflag:s13] =	ssyncadd.s32 $0xFFFFC000  }
0x35: {  	[spmem:s2] =	stream.indirect.scatter.add.f32 [tilespmem:s17], [sflag:$0x2], $0x80, s21, s16, $0xb8;
	[tilespmem:$0x1D000] =	vst v63  }
0x36: {  	_ =	swait.ge [sflag:s14], $0x4000  }
0x37: {  	s20 =	sadd.s32 $0x1, s20;
	[sflag:s14] =	ssyncset.done $0x0  }
0x38: {  	p0 =	sne.s32 s20, s10;
	[sflag:s14] =	ssyncadd.s32 $0xFFFFC000  }
.Ltmp1:
0x39: {  	[bflag:$0x0] =	sbarrier.arrive $0xFFFF;
	(pc) =	sbr.rel @p0 .LBB2_1-.Ltmp1, $4  }
0x3a: {  	[hbm:s9], [sflag:s18] =	dma.local [spmem:s12], $0x2800  }
0x3b: {  	_ =	swait.ge [sflag:s19], $0x2800  }
0x3c: {  	[sflag:s19] =	ssyncset.done $0x0  }
0x3d: {  	[sflag:s19] =	ssyncadd.s32 $0xFFFFD800  }
0x3e: {  	_ =	sfence.sel $0x180000  }
0x3f: {  	[bflag:$0x0] =	sbarrier.arrive $0xFFFF  }
0x40: {  	p0 =	sne.s32 s0, $0x0;
	_ =	strace $0x90000050  }
0x41: {  	s0 =	sadd.s32 @!p0 $0x100000, s1;
	[bflag:$0x2] =	sbarrier.arrive $0xFFFF  }
0x42: {  	[sflag:s0] =	ssyncadd.tile.s32 @!p0 $0x1;
	_ =	shalt  }
.Lfunc_end2:
_tile_overlayer_lowered:
.L_overlay_start_2:
0x43: {  	(tag) =	ssettag $0x2  }
0x44: {  	s0 =	rddreg [dreg:$0x0];
	s2 =	stileid.u32  }
0x45: {  	s1 =	rddreg [dreg:$0x1];
	p0 =	sne.s32 s2, $0x0  }
0x46: {  	s3 =	rddreg [dreg:$0x2];
	[bflag:$0x3] =	sbarrier.arrive $0xFFFF;
	s2 =	simm.s32 @!p0 $0x1C04  }
0x47: {  	[timem:s3], [sflag:s2] =	dma.local @!p0 [hbm:s0], s1  }
0x48: {  	s0 =	simm.s32 @!p0 $0x4  }
0x49: {  	_ =	swait.ge @!p0 [sflag:s0], s1  }
0x4a: {  	s1 =	ssub.s32 @!p0 $0x0, s1;
	[sflag:s0] =	ssyncset.done @!p0 $0x0  }
0x4b: {  	[sflag:s0] =	ssyncadd.s32 @!p0 s1  }
0x4c: {  	[bflag:$0x3] =	sbarrier.arrive $0xFFFF  }
0x4d: {  	_ =	shalt  }

</sc_bundles>
